<compile_context>
chip_gen: v7x
topology: tpu7x:2x2x1
jax: 0.10.2.dev20260603
libtpu: 0.0.44.dev20260713+nightly
codegen_flags: <defaults>
</compile_context>

<pallas_src>
import functools

import jax
import jax.numpy as jnp
from jax import lax
from jax.experimental import pallas as pl
from jax.experimental.pallas import tpu as pltpu
from jax.experimental.pallas import tpu_sc as plsc

_B, _C, _H, _W = 4, 32, 64, 64
_K = 8
_VS = 8
_P = _H * _W
_COUT = 64
_HID = 4 * _C
_ADIN = 2 + _C
_NIDX = _B * _P * _K * _VS
_NW = 32
_CH = 1024
_PER_W = _NIDX // _NW
_MIN_SIGMA = 0.05
_SIGMA_SCALE = 0.05
_SIGMA_BOOST = 2.0
_REGION = 12


def _stage_a_body(xin_ref, w1_ref, b1_ref, w2_ref, b2_ref, mids_ref,
                  giy0_ref, gix0_ref, giy1_ref, gix1_ref,
                  roy0_ref, rox0_ref, roy1_ref, rox1_ref,
                  ids_ref, wts_ref):
    b = pl.program_id(0)
    xin = xin_ref[0]
    hid = jnp.maximum(
        jnp.dot(xin, w1_ref[...], preferred_element_type=jnp.float32)
        + b1_ref[...], 0.0)
    par = (jnp.dot(hid, w2_ref[...], preferred_element_type=jnp.float32)
           + b2_ref[...])
    hwf = jnp.float32(_H)
    my = jnp.mod(mids_ref[:, 0:1] + par[:, 0:_K], hwf)
    mx = jnp.mod(mids_ref[:, 1:2] + par[:, _K:2 * _K], hwf)
    sig = ((jax.nn.softplus(par[:, 2 * _K:3 * _K] + _SIGMA_BOOST)
            + _MIN_SIGMA) * (hwf * _SIGMA_SCALE))
    fyi = jnp.floor(my).astype(jnp.int32)
    fxi = jnp.floor(mx).astype(jnp.int32)

    iys = []
    ixs = []
    for dy, dx in ((0, 0), (0, 1), (1, 0), (1, 1)):
        iys.append(jnp.mod(fyi + dy, _H))
        ixs.append(jnp.mod(fxi + dx, _W))
    iys.append(giy0_ref[0])
    ixs.append(gix0_ref[0])
    iys.append(giy1_ref[0])
    ixs.append(gix1_ref[0])
    iys.append(jnp.mod(fyi + roy0_ref[0], _H))
    ixs.append(jnp.mod(fxi + rox0_ref[0], _W))
    iys.append(jnp.mod(fyi + roy1_ref[0], _H))
    ixs.append(jnp.mod(fxi + rox1_ref[0], _W))

    ids = [iy * _W + ix for iy, ix in zip(iys, ixs)]
    props = []
    for v in range(_VS):
        dyv = (iys[v].astype(jnp.float32) - my) / sig
        dxv = (ixs[v].astype(jnp.float32) - mx) / sig
        pr = jnp.exp(-0.5 * (dyv * dyv + dxv * dxv))
        if v > 0:
            dup = ids[0] == ids[v]
            for u in range(1, v):
                dup = jnp.logical_or(dup, ids[u] == ids[v])
            pr = jnp.where(dup, 0.0, pr)
        props.append(pr)
    tot = props[0]
    for v in range(1, _VS):
        tot = tot + props[v]
    base = b * _P
    ids_ref[0] = jnp.concatenate([i + base for i in ids], axis=1)
    wts_ref[0] = jnp.concatenate([p / tot for p in props], axis=1)


def _stage_c_body(g_ref, w_ref, wu_ref, bu_ref, out_ref):
    g = g_ref[...]
    wv = w_ref[...]
    feats = []
    for k in range(_K):
        acc = None
        for v in range(_VS):
            j = v * _K + k
            term = g[:, j * _C:(j + 1) * _C] * wv[:, j:j + 1]
            acc = term if acc is None else acc + term
        feats.append(acc)
    f = jnp.concatenate(feats, axis=1)
    out_ref[...] = (jnp.dot(f, wu_ref[...], preferred_element_type=jnp.float32)
                    + bu_ref[...])


def _sc_gather_body(table_hbm, idx_hbm, out_hbm, idx_v, rows0, rows1,
                    sem0, sem1):
    wid = lax.axis_index("s") * 2 + lax.axis_index("c")
    wbase = wid * _PER_W
    n = _PER_W // _CH
    bufs = (rows0, rows1)
    sems = (sem0, sem1)
    pltpu.sync_copy(idx_hbm.at[pl.ds(wbase, _PER_W)], idx_v)

    def start(i, t):
        pltpu.async_copy(
            table_hbm.at[idx_v.at[pl.ds(i * _CH, _CH)]], bufs[t], sems[t])

    def finish(i, t):
        pltpu.make_async_copy(
            table_hbm.at[idx_v.at[pl.ds(i * _CH, _CH)]], bufs[t],
            sems[t]).wait()
        pltpu.sync_copy(bufs[t], out_hbm.at[pl.ds(wbase + i * _CH, _CH)])

    start(0, 0)
    start(1, 1)

    def step(j, carry):
        for t in range(2):
            i = 2 * j + t
            finish(i, t)
            start(i + 2, t)
        return carry

    lax.fori_loop(0, n // 2 - 1, step, 0)
    finish(n - 2, 0)
    finish(n - 1, 1)


@jax.jit
def kernel(x, W1, b1, W2, b2, Wu, bu):
    b, c, h, w = x.shape
    hwf = jnp.float32(h)

    xt = jnp.transpose(x, (0, 2, 3, 1))
    table = xt.reshape(b * _P, c)
    ys = jnp.linspace(0.0, 1.0, h)
    xs = jnp.linspace(0.0, 1.0, w)
    gy, gx = jnp.meshgrid(ys, xs, indexing="ij")
    coords = jnp.stack([gy, gx], axis=-1).reshape(_P, 2)
    mids = coords * (hwf - 1.0)
    xin = jnp.concatenate(
        [xt.reshape(b, _P, c),
         jnp.broadcast_to(coords[None], (b, _P, 2))], axis=-1)

    perm = jnp.array(
        tuple(range(0, 2 * _K, 2)) + tuple(range(1, 2 * _K, 2))
        + tuple(range(2 * _K, 3 * _K)), dtype=jnp.int32)
    W2p = W2[:, perm]
    b2p = b2[perm].reshape(1, 3 * _K)
    b1r = b1.reshape(1, _HID)
    bur = bu.reshape(1, _COUT)

    kg, kr = jax.random.split(jax.random.key(42))
    gidx = jax.random.randint(kg, (b, h, w, _K, 2, 2), 0, jnp.array([h, w]))
    roff = jax.random.randint(
        kr, (b, h, w, _K, 2, 2), 0,
        jnp.array([_REGION, _REGION])) - jnp.array([_REGION, _REGION]) // 2
    g4 = gidx.reshape(b, _P, _K, 2, 2).astype(jnp.int32)
    r4 = roff.reshape(b, _P, _K, 2, 2).astype(jnp.int32)
    giy0, gix0 = g4[..., 0, 0], g4[..., 0, 1]
    giy1, gix1 = g4[..., 1, 0], g4[..., 1, 1]
    roy0, rox0 = r4[..., 0, 0], r4[..., 0, 1]
    roy1, rox1 = r4[..., 1, 0], r4[..., 1, 1]

    pb = 512
    bspec = pl.BlockSpec((1, pb, _K), lambda i, j: (i, j, 0))
    ids, wts = pl.pallas_call(
        _stage_a_body,
        grid=(b, _P // pb),
        in_specs=[
            pl.BlockSpec((1, pb, _ADIN), lambda i, j: (i, j, 0)),
            pl.BlockSpec((_ADIN, _HID), lambda i, j: (0, 0)),
            pl.BlockSpec((1, _HID), lambda i, j: (0, 0)),
            pl.BlockSpec((_HID, 3 * _K), lambda i, j: (0, 0)),
            pl.BlockSpec((1, 3 * _K), lambda i, j: (0, 0)),
            pl.BlockSpec((pb, 2), lambda i, j: (j, 0)),
            bspec, bspec, bspec, bspec, bspec, bspec, bspec, bspec,
        ],
        out_specs=[
            pl.BlockSpec((1, pb, _VS * _K), lambda i, j: (i, j, 0)),
            pl.BlockSpec((1, pb, _VS * _K), lambda i, j: (i, j, 0)),
        ],
        out_shape=[
            jax.ShapeDtypeStruct((b, _P, _VS * _K), jnp.int32),
            jax.ShapeDtypeStruct((b, _P, _VS * _K), jnp.float32),
        ],
    )(xin, W1, b1r, W2p, b2p, mids,
      giy0, gix0, giy1, gix1, roy0, rox0, roy1, rox1)

    idx_flat = ids.reshape(_NIDX)
    mesh = plsc.VectorSubcoreMesh(core_axis_name="c", subcore_axis_name="s")
    gather = functools.partial(
        pl.kernel, _sc_gather_body, mesh=mesh,
        compiler_params=pltpu.CompilerParams(use_tc_tiling_on_sc=False),
        out_type=jax.ShapeDtypeStruct((_NIDX, _C), jnp.float32),
        scratch_types=[
            pltpu.VMEM((_PER_W,), jnp.int32),
            pltpu.VMEM((_CH, _C), jnp.float32),
            pltpu.VMEM((_CH, _C), jnp.float32),
            pltpu.SemaphoreType.DMA,
            pltpu.SemaphoreType.DMA,
        ],
    )()
    gathered = gather(table, idx_flat)

    pc = 256
    g2 = gathered.reshape(b * _P, _VS * _K * _C)
    w2d = wts.reshape(b * _P, _VS * _K)
    out = pl.pallas_call(
        _stage_c_body,
        grid=(b * _P // pc,),
        in_specs=[
            pl.BlockSpec((pc, _VS * _K * _C), lambda i: (i, 0)),
            pl.BlockSpec((pc, _VS * _K), lambda i: (i, 0)),
            pl.BlockSpec((_K * _C, _COUT), lambda i: (0, 0)),
            pl.BlockSpec((1, _COUT), lambda i: (0, 0)),
        ],
        out_specs=pl.BlockSpec((pc, _COUT), lambda i: (i, 0)),
        out_shape=jax.ShapeDtypeStruct((b * _P, _COUT), jnp.float32),
    )(g2, w2d, Wu, bur)

    return jnp.transpose(out.reshape(b, h, w, _COUT), (0, 3, 1, 2))

# --- scband reference (transcript-rebuilt; emitter-appended) ---
"""Pipeline reference for scband-convolution-74302934221226 (READ-ONLY COPY).

The authoritative reference and input builder live on the scoring server;
editing this copy changes nothing except your own understanding.
"""

import jax, jax.numpy as jnp
import numpy as np

B, C, H, W = 4, 32, 64, 64
K = 8
GADD, RADD = 2, 2
VS = 4 + GADD + RADD
REGION = (12, 12)  # max(int(0.2*64), 2)
MIN_SIGMA = 0.05
SIGMA_SCALE = 0.05
MMULT = 1.0
COUT = 64
ADIN = 2 + C
HIDDEN = 4 * C
SIGMA_BOOST = 2.0


def coordinates(h, w):
    ys = jnp.linspace(0.0, 1.0, h)
    xs = jnp.linspace(0.0, 1.0, w)
    gy, gx = jnp.meshgrid(ys, xs, indexing='ij')
    return jnp.stack([gy, gx], axis=0)  # (2, h, w), util.coordinates


def setup_inputs(seed: int = 0):
    key = jax.random.key(seed)
    ks = jax.random.split(key, 8)
    x = jax.random.normal(ks[0], (B, C, H, W), dtype=jnp.float32)
    W1 = jax.random.normal(ks[1], (ADIN, HIDDEN), dtype=jnp.float32) * (1.0 / np.sqrt(ADIN))
    b1 = jnp.zeros((HIDDEN,), dtype=jnp.float32)
    W2 = jax.random.normal(ks[2], (HIDDEN, 3 * K), dtype=jnp.float32) * (1.0 / np.sqrt(HIDDEN))
    b2 = jnp.zeros((3 * K,), dtype=jnp.float32)
    Wu = jax.random.normal(ks[3], (K * C, COUT), dtype=jnp.float32) * (1.0 / np.sqrt(K * C))
    bu = jnp.zeros((COUT,), dtype=jnp.float32)
    return {"x": x, "W1": W1, "b1": b1, "W2": W2, "b2": b2, "Wu": Wu, "bu": bu}


def _forward(x, W1, b1, W2, b2, Wu, bu):
    b, c, h, w = x.shape
    hw = jnp.array([h, w], dtype=jnp.float32)
    coords = coordinates(h, w)
    # hyper(): anchor grid positions (mids)
    mids = coords[None] * (hw - 1.0)[None, :, None, None]
    mids = jnp.broadcast_to(mids, (b, 2, h, w))
    mids = jnp.transpose(mids, (0, 2, 3, 1))
    mids = jnp.broadcast_to(mids[:, :, :, None, :], (b, h, w, K, 2))
    # admode == 'full': concat input channels with coords, run toparams MLP
    xin = jnp.concatenate([x, jnp.broadcast_to(coords[None], (b, 2, h, w))], axis=1)
    xin = jnp.transpose(xin, (0, 2, 3, 1))  # (b, h, w, adin)
    hid = jax.nn.relu(xin @ W1 + b1)
    params = hid @ W2 + b2  # (b, h, w, 3k)
    means = params[..., : 2 * K].reshape(b, h, w, K, 2)
    sigmas = params[..., 2 * K :].reshape(b, h, w, K)
    means = mids + MMULT * means
    means = jnp.mod(means, hw)  # sparse.transform_means, method='modulo'
    # sparse.transform_sigmas: softplus boost + min_sigma, scaled per-dim by size, then sigma_scale
    sigmas = (jax.nn.softplus(sigmas + SIGMA_BOOST) + MIN_SIGMA)[..., None] * hw * SIGMA_SCALE  # (b,h,w,K,2)
    # sparse.ngenerate: 4 integer corner neighbors + global + relative-range random samples
    fm = jnp.floor(means).astype(jnp.int32)
    offs = jnp.array([[0, 0], [0, 1], [1, 0], [1, 1]], dtype=jnp.int32)
    neigh = fm[..., None, :] + offs[None, None, None, None, :, :]  # (b,h,w,K,4,2)
    kg, kr = jax.random.split(jax.random.key(42))
    gidx = jax.random.randint(kg, (b, h, w, K, GADD, 2), 0, jnp.array([h, w]))
    roff = jax.random.randint(kr, (b, h, w, K, RADD, 2), 0, jnp.array(REGION)) - jnp.array(REGION) // 2
    ridx = fm[..., None, :] + roff
    indices = jnp.concatenate([neigh, gidx, ridx], axis=4)  # (b,h,w,K,VS,2)
    indices = jnp.mod(indices, jnp.array([h, w]))
    indices = jax.lax.stop_gradient(indices)
    indfl = indices.astype(jnp.float32)
    # sparse.densities: unnormalized diagonal-gaussian density of each index point
    props = jnp.exp(-0.5 * jnp.sum(((indfl - means[..., None, :]) / sigmas[..., None, :]) ** 2, axis=-1))  # (b,h,w,K,VS)
    # util.nduplicates: zero out repeated index tuples (keep first occurrence)
    ids = indices[..., 0] * w + indices[..., 1]
    eq = ids[..., :, None] == ids[..., None, :]
    tri = jnp.tril(jnp.ones((VS, VS), dtype=bool), k=-1)
    dups = jnp.any(eq & tri, axis=-1)
    props = jnp.where(dups, 0.0, props)
    props = props / jnp.sum(props, axis=-1, keepdims=True)
    mvalues = jnp.ones((K,), dtype=jnp.float32)
    weights = props * mvalues[None, None, None, :, None]  # (b,h,w,K,VS)
    # gather pixel channel vectors (memory-bound gather)
    xt = jnp.transpose(x, (0, 2, 3, 1))  # (b,h,w,c)
    iy = indices[..., 0].reshape(b, -1)
    ix = indices[..., 1].reshape(b, -1)
    feats = xt[jnp.arange(b)[:, None], iy, ix]  # (b, h*w*K*VS, c)
    feats = feats.reshape(b, h, w, K, VS, c)
    feats = jnp.sum(feats * weights[..., None], axis=4)  # (b,h,w,K,c)
    feats = feats.reshape(b, h, w, K * c)
    out = feats @ Wu + bu  # unify
    return jnp.transpose(out, (0, 3, 1, 2))  # (b, cout, h, w)


def reference(x, W1, b1, W2, b2, Wu, bu):
    return _forward(x, W1, b1, W2, b2, Wu, bu)

if __name__ == "__main__":
    import jax
    _d = setup_inputs()
    print(jax.jit(kernel)(*tuple(_d.values())))

</pallas_src>

<mosaic_0001>
#map = affine_map<(d0, d1) -> (0, 0)>
#map1 = affine_map<(d0, d1) -> (0)>
module attributes {stable_mosaic.version = 14 : i64} {
  func.func @_sc_gather_body(%arg0: i32, %arg1: i32, %arg2: memref<16384x32xf32, #tpu.memory_space<hbm>>, %arg3: memref<1048576xi32, #tpu.memory_space<hbm>>, %arg4: memref<1048576x32xf32, #tpu.memory_space<hbm>>, %arg5: memref<32768xi32, #tpu.memory_space<vmem>>, %arg6: memref<1024x32xf32, #tpu.memory_space<vmem>>, %arg7: memref<1024x32xf32, #tpu.memory_space<vmem>>, %arg8: memref<!tpu.dma_semaphore, #tpu.memory_space<semaphore_mem>>, %arg9: memref<!tpu.dma_semaphore, #tpu.memory_space<semaphore_mem>>) attributes {dimension_semantics = [#tpu.dimension_semantics<core_parallel>, #tpu.dimension_semantics<subcore_parallel>], iteration_bounds = array<i64: 2, 16>, scalar_prefetch = 0 : i64, scratch_operands = 5 : i64, tpu.core_type = #tpu.core_type<sc_vector_subcore>, window_params = [{transform_indices = #map}, {transform_indices = #map1}, {transform_indices = #map}]} {
    %mul3A = arith.constant 2 : i32
    %mul3A_0 = arith.muli %arg1, %mul3A : i32
    %add3A = arith.addi %mul3A_0, %arg0 : i32
    %mul3A_1 = arith.constant 32768 : i32
    %mul3A_2 = arith.muli %add3A, %mul3A_1 : i32
    "tpu.region"() ({
      %run_scoped3A = tpu.sem_alloc : memref<!tpu.dma_semaphore, #tpu.memory_space<semaphore_mem>>
      %dma_start3A_30 = tpu.memref_slice %arg3[%mul3A_2] : memref<1048576xi32, #tpu.memory_space<hbm>> -> memref<32768xi32, #tpu.memory_space<hbm>>
      %dma_start3A_31 = tpu.memref_slice %arg3[%mul3A_2] : memref<1048576xi32, #tpu.memory_space<hbm>> -> memref<32768xi32, #tpu.memory_space<hbm>>
      tpu.enqueue_dma source(%dma_start3A_31 : memref<32768xi32, #tpu.memory_space<hbm>>) target(%arg5 : memref<32768xi32, #tpu.memory_space<vmem>>) target_semaphore(%run_scoped3A : memref<!tpu.dma_semaphore, #tpu.memory_space<semaphore_mem>>)
      %dma_wait3A_32 = tpu.memref_slice %arg3[%mul3A_2] : memref<1048576xi32, #tpu.memory_space<hbm>> -> memref<32768xi32, #tpu.memory_space<hbm>>
      %dma_wait3A_33 = tpu.memref_slice %arg3[%mul3A_2] : memref<1048576xi32, #tpu.memory_space<hbm>> -> memref<32768xi32, #tpu.memory_space<hbm>>
      tpu.wait_dma2 semaphore(%run_scoped3A : memref<!tpu.dma_semaphore, #tpu.memory_space<semaphore_mem>>) src(%dma_wait3A_33 : memref<32768xi32, #tpu.memory_space<hbm>>) dst(%arg5 : memref<32768xi32, #tpu.memory_space<vmem>>)
      tpu.yield
    }) : () -> ()
    %dma_start3A = arith.constant 0 : i32
    %dma_start3A_3 = tpu.memref_slice %arg5[%dma_start3A] : memref<32768xi32, #tpu.memory_space<vmem>> -> memref<1024xi32, #tpu.memory_space<vmem>>
    %dma_start3A_4 = arith.constant 0 : i32
    %dma_start3A_5 = arith.constant 0 : i32
    %dma_start3A_6 = tpu.memref_slice %arg2[%dma_start3A_4, %dma_start3A_5] : memref<16384x32xf32, #tpu.memory_space<hbm>> -> memref<16384x32xf32, #tpu.memory_space<hbm>>
    tpu.enqueue_indirect_dma source(%dma_start3A_6 : memref<16384x32xf32, #tpu.memory_space<hbm>>) target(%arg6 : memref<1024x32xf32, #tpu.memory_space<vmem>>) offsets(%dma_start3A_3 : memref<1024xi32, #tpu.memory_space<vmem>>) semaphore(%arg8 : memref<!tpu.dma_semaphore, #tpu.memory_space<semaphore_mem>>)
    %dma_start3A_7 = arith.constant 1024 : i32
    %dma_start3A_8 = tpu.memref_slice %arg5[%dma_start3A_7] : memref<32768xi32, #tpu.memory_space<vmem>> -> memref<1024xi32, #tpu.memory_space<vmem>>
    %dma_start3A_9 = arith.constant 0 : i32
    %dma_start3A_10 = arith.constant 0 : i32
    %dma_start3A_11 = tpu.memref_slice %arg2[%dma_start3A_9, %dma_start3A_10] : memref<16384x32xf32, #tpu.memory_space<hbm>> -> memref<16384x32xf32, #tpu.memory_space<hbm>>
    tpu.enqueue_indirect_dma source(%dma_start3A_11 : memref<16384x32xf32, #tpu.memory_space<hbm>>) target(%arg7 : memref<1024x32xf32, #tpu.memory_space<vmem>>) offsets(%dma_start3A_8 : memref<1024xi32, #tpu.memory_space<vmem>>) semaphore(%arg9 : memref<!tpu.dma_semaphore, #tpu.memory_space<semaphore_mem>>)
    %scan3A = arith.constant 0 : i32
    %scan3A_12 = arith.constant 0 : i32
    %scan3A_13 = arith.constant 15 : i32
    %scan3A_14 = arith.addi %scan3A_12, %scan3A_13 : i32
    %scan3A_15 = arith.constant 1 : i32
    scf.for %scan3A_30 = %scan3A_12 to %scan3A_14 step %scan3A_15  : i32 {
      %mul3A_31 = arith.constant 2 : i32
      %mul3A_32 = arith.muli %mul3A_31, %scan3A_30 : i32
      %add3A_33 = arith.constant 0 : i32
      %add3A_34 = arith.addi %mul3A_32, %add3A_33 : i32
      %mul3A_35 = arith.constant 1024 : i32
      %mul3A_36 = arith.muli %add3A_34, %mul3A_35 : i32
      %dma_wait3A_37 = tpu.memref_slice %arg5[%mul3A_36] : memref<32768xi32, #tpu.memory_space<vmem>> -> memref<1024xi32, #tpu.memory_space<vmem>>
      %dma_wait3A_38 = arith.constant 0 : i32
      %dma_wait3A_39 = arith.constant 0 : i32
      %dma_wait3A_40 = tpu.memref_slice %arg2[%dma_wait3A_38, %dma_wait3A_39] : memref<16384x32xf32, #tpu.memory_space<hbm>> -> memref<16384x32xf32, #tpu.memory_space<hbm>>
      tpu.wait_indirect_dma semaphore(%arg8 : memref<!tpu.dma_semaphore, #tpu.memory_space<semaphore_mem>>) src(%dma_wait3A_40 : memref<16384x32xf32, #tpu.memory_space<hbm>>) dst(%arg6 : memref<1024x32xf32, #tpu.memory_space<vmem>>)
      %mul3A_41 = arith.constant 1024 : i32
      %mul3A_42 = arith.muli %add3A_34, %mul3A_41 : i32
      %add3A_43 = arith.addi %mul3A_2, %mul3A_42 : i32
      "tpu.region"() ({
        %run_scoped3A = tpu.sem_alloc : memref<!tpu.dma_semaphore, #tpu.memory_space<semaphore_mem>>
        %dma_start3A_73 = arith.constant 0 : i32
        %dma_start3A_74 = tpu.memref_slice %arg4[%add3A_43, %dma_start3A_73] : memref<1048576x32xf32, #tpu.memory_space<hbm>> -> memref<1024x32xf32, #tpu.memory_space<hbm>>
        %dma_start3A_75 = arith.constant 0 : i32
        %dma_start3A_76 = tpu.memref_slice %arg4[%add3A_43, %dma_start3A_75] : memref<1048576x32xf32, #tpu.memory_space<hbm>> -> memref<1024x32xf32, #tpu.memory_space<hbm>>
        tpu.enqueue_dma source(%arg6 : memref<1024x32xf32, #tpu.memory_space<vmem>>) target(%dma_start3A_76 : memref<1024x32xf32, #tpu.memory_space<hbm>>) target_semaphore(%run_scoped3A : memref<!tpu.dma_semaphore, #tpu.memory_space<semaphore_mem>>)
        %dma_wait3A_77 = arith.constant 0 : i32
        %dma_wait3A_78 = tpu.memref_slice %arg4[%add3A_43, %dma_wait3A_77] : memref<1048576x32xf32, #tpu.memory_space<hbm>> -> memref<1024x32xf32, #tpu.memory_space<hbm>>
        %dma_wait3A_79 = arith.constant 0 : i32
        %dma_wait3A_80 = tpu.memref_slice %arg4[%add3A_43, %dma_wait3A_79] : memref<1048576x32xf32, #tpu.memory_space<hbm>> -> memref<1024x32xf32, #tpu.memory_space<hbm>>
        tpu.wait_dma2 semaphore(%run_scoped3A : memref<!tpu.dma_semaphore, #tpu.memory_space<semaphore_mem>>) src(%arg6 : memref<1024x32xf32, #tpu.memory_space<vmem>>) dst(%dma_wait3A_80 : memref<1024x32xf32, #tpu.memory_space<hbm>>)
        tpu.yield
      }) : () -> ()
      %add3A_44 = arith.constant 2 : i32
      %add3A_45 = arith.addi %add3A_34, %add3A_44 : i32
      %mul3A_46 = arith.constant 1024 : i32
      %mul3A_47 = arith.muli %add3A_45, %mul3A_46 : i32
      %dma_start3A_48 = tpu.memref_slice %arg5[%mul3A_47] : memref<32768xi32, #tpu.memory_space<vmem>> -> memref<1024xi32, #tpu.memory_space<vmem>>
      %dma_start3A_49 = arith.constant 0 : i32
      %dma_start3A_50 = arith.constant 0 : i32
      %dma_start3A_51 = tpu.memref_slice %arg2[%dma_start3A_49, %dma_start3A_50] : memref<16384x32xf32, #tpu.memory_space<hbm>> -> memref<16384x32xf32, #tpu.memory_space<hbm>>
      tpu.enqueue_indirect_dma source(%dma_start3A_51 : memref<16384x32xf32, #tpu.memory_space<hbm>>) target(%arg6 : memref<1024x32xf32, #tpu.memory_space<vmem>>) offsets(%dma_start3A_48 : memref<1024xi32, #tpu.memory_space<vmem>>) semaphore(%arg8 : memref<!tpu.dma_semaphore, #tpu.memory_space<semaphore_mem>>)
      %mul3A_52 = arith.constant 2 : i32
      %mul3A_53 = arith.muli %mul3A_52, %scan3A_30 : i32
      %add3A_54 = arith.constant 1 : i32
      %add3A_55 = arith.addi %mul3A_53, %add3A_54 : i32
      %mul3A_56 = arith.constant 1024 : i32
      %mul3A_57 = arith.muli %add3A_55, %mul3A_56 : i32
      %dma_wait3A_58 = tpu.memref_slice %arg5[%mul3A_57] : memref<32768xi32, #tpu.memory_space<vmem>> -> memref<1024xi32, #tpu.memory_space<vmem>>
      %dma_wait3A_59 = arith.constant 0 : i32
      %dma_wait3A_60 = arith.constant 0 : i32
      %dma_wait3A_61 = tpu.memref_slice %arg2[%dma_wait3A_59, %dma_wait3A_60] : memref<16384x32xf32, #tpu.memory_space<hbm>> -> memref<16384x32xf32, #tpu.memory_space<hbm>>
      tpu.wait_indirect_dma semaphore(%arg9 : memref<!tpu.dma_semaphore, #tpu.memory_space<semaphore_mem>>) src(%dma_wait3A_61 : memref<16384x32xf32, #tpu.memory_space<hbm>>) dst(%arg7 : memref<1024x32xf32, #tpu.memory_space<vmem>>)
      %mul3A_62 = arith.constant 1024 : i32
      %mul3A_63 = arith.muli %add3A_55, %mul3A_62 : i32
      %add3A_64 = arith.addi %mul3A_2, %mul3A_63 : i32
      "tpu.region"() ({
        %run_scoped3A = tpu.sem_alloc : memref<!tpu.dma_semaphore, #tpu.memory_space<semaphore_mem>>
        %dma_start3A_73 = arith.constant 0 : i32
        %dma_start3A_74 = tpu.memref_slice %arg4[%add3A_64, %dma_start3A_73] : memref<1048576x32xf32, #tpu.memory_space<hbm>> -> memref<1024x32xf32, #tpu.memory_space<hbm>>
        %dma_start3A_75 = arith.constant 0 : i32
        %dma_start3A_76 = tpu.memref_slice %arg4[%add3A_64, %dma_start3A_75] : memref<1048576x32xf32, #tpu.memory_space<hbm>> -> memref<1024x32xf32, #tpu.memory_space<hbm>>
        tpu.enqueue_dma source(%arg7 : memref<1024x32xf32, #tpu.memory_space<vmem>>) target(%dma_start3A_76 : memref<1024x32xf32, #tpu.memory_space<hbm>>) target_semaphore(%run_scoped3A : memref<!tpu.dma_semaphore, #tpu.memory_space<semaphore_mem>>)
        %dma_wait3A_77 = arith.constant 0 : i32
        %dma_wait3A_78 = tpu.memref_slice %arg4[%add3A_64, %dma_wait3A_77] : memref<1048576x32xf32, #tpu.memory_space<hbm>> -> memref<1024x32xf32, #tpu.memory_space<hbm>>
        %dma_wait3A_79 = arith.constant 0 : i32
        %dma_wait3A_80 = tpu.memref_slice %arg4[%add3A_64, %dma_wait3A_79] : memref<1048576x32xf32, #tpu.memory_space<hbm>> -> memref<1024x32xf32, #tpu.memory_space<hbm>>
        tpu.wait_dma2 semaphore(%run_scoped3A : memref<!tpu.dma_semaphore, #tpu.memory_space<semaphore_mem>>) src(%arg7 : memref<1024x32xf32, #tpu.memory_space<vmem>>) dst(%dma_wait3A_80 : memref<1024x32xf32, #tpu.memory_space<hbm>>)
        tpu.yield
      }) : () -> ()
      %add3A_65 = arith.constant 2 : i32
      %add3A_66 = arith.addi %add3A_55, %add3A_65 : i32
      %mul3A_67 = arith.constant 1024 : i32
      %mul3A_68 = arith.muli %add3A_66, %mul3A_67 : i32
      %dma_start3A_69 = tpu.memref_slice %arg5[%mul3A_68] : memref<32768xi32, #tpu.memory_space<vmem>> -> memref<1024xi32, #tpu.memory_space<vmem>>
      %dma_start3A_70 = arith.constant 0 : i32
      %dma_start3A_71 = arith.constant 0 : i32
      %dma_start3A_72 = tpu.memref_slice %arg2[%dma_start3A_70, %dma_start3A_71] : memref<16384x32xf32, #tpu.memory_space<hbm>> -> memref<16384x32xf32, #tpu.memory_space<hbm>>
      tpu.enqueue_indirect_dma source(%dma_start3A_72 : memref<16384x32xf32, #tpu.memory_space<hbm>>) target(%arg7 : memref<1024x32xf32, #tpu.memory_space<vmem>>) offsets(%dma_start3A_69 : memref<1024xi32, #tpu.memory_space<vmem>>) semaphore(%arg9 : memref<!tpu.dma_semaphore, #tpu.memory_space<semaphore_mem>>)
    }
    %scan3A_16 = arith.constant 15 : i32
    %dma_wait3A = arith.constant 30720 : i32
    %dma_wait3A_17 = tpu.memref_slice %arg5[%dma_wait3A] : memref<32768xi32, #tpu.memory_space<vmem>> -> memref<1024xi32, #tpu.memory_space<vmem>>
    %dma_wait3A_18 = arith.constant 0 : i32
    %dma_wait3A_19 = arith.constant 0 : i32
    %dma_wait3A_20 = tpu.memref_slice %arg2[%dma_wait3A_18, %dma_wait3A_19] : memref<16384x32xf32, #tpu.memory_space<hbm>> -> memref<16384x32xf32, #tpu.memory_space<hbm>>
    tpu.wait_indirect_dma semaphore(%arg8 : memref<!tpu.dma_semaphore, #tpu.memory_space<semaphore_mem>>) src(%dma_wait3A_20 : memref<16384x32xf32, #tpu.memory_space<hbm>>) dst(%arg6 : memref<1024x32xf32, #tpu.memory_space<vmem>>)
    %add3A_21 = arith.constant 30720 : i32
    %add3A_22 = arith.addi %mul3A_2, %add3A_21 : i32
    "tpu.region"() ({
      %run_scoped3A = tpu.sem_alloc : memref<!tpu.dma_semaphore, #tpu.memory_space<semaphore_mem>>
      %dma_start3A_30 = arith.constant 0 : i32
      %dma_start3A_31 = tpu.memref_slice %arg4[%add3A_22, %dma_start3A_30] : memref<1048576x32xf32, #tpu.memory_space<hbm>> -> memref<1024x32xf32, #tpu.memory_space<hbm>>
      %dma_start3A_32 = arith.constant 0 : i32
      %dma_start3A_33 = tpu.memref_slice %arg4[%add3A_22, %dma_start3A_32] : memref<1048576x32xf32, #tpu.memory_space<hbm>> -> memref<1024x32xf32, #tpu.memory_space<hbm>>
      tpu.enqueue_dma source(%arg6 : memref<1024x32xf32, #tpu.memory_space<vmem>>) target(%dma_start3A_33 : memref<1024x32xf32, #tpu.memory_space<hbm>>) target_semaphore(%run_scoped3A : memref<!tpu.dma_semaphore, #tpu.memory_space<semaphore_mem>>)
      %dma_wait3A_34 = arith.constant 0 : i32
      %dma_wait3A_35 = tpu.memref_slice %arg4[%add3A_22, %dma_wait3A_34] : memref<1048576x32xf32, #tpu.memory_space<hbm>> -> memref<1024x32xf32, #tpu.memory_space<hbm>>
      %dma_wait3A_36 = arith.constant 0 : i32
      %dma_wait3A_37 = tpu.memref_slice %arg4[%add3A_22, %dma_wait3A_36] : memref<1048576x32xf32, #tpu.memory_space<hbm>> -> memref<1024x32xf32, #tpu.memory_space<hbm>>
      tpu.wait_dma2 semaphore(%run_scoped3A : memref<!tpu.dma_semaphore, #tpu.memory_space<semaphore_mem>>) src(%arg6 : memref<1024x32xf32, #tpu.memory_space<vmem>>) dst(%dma_wait3A_37 : memref<1024x32xf32, #tpu.memory_space<hbm>>)
      tpu.yield
    }) : () -> ()
    %dma_wait3A_23 = arith.constant 31744 : i32
    %dma_wait3A_24 = tpu.memref_slice %arg5[%dma_wait3A_23] : memref<32768xi32, #tpu.memory_space<vmem>> -> memref<1024xi32, #tpu.memory_space<vmem>>
    %dma_wait3A_25 = arith.constant 0 : i32
    %dma_wait3A_26 = arith.constant 0 : i32
    %dma_wait3A_27 = tpu.memref_slice %arg2[%dma_wait3A_25, %dma_wait3A_26] : memref<16384x32xf32, #tpu.memory_space<hbm>> -> memref<16384x32xf32, #tpu.memory_space<hbm>>
    tpu.wait_indirect_dma semaphore(%arg9 : memref<!tpu.dma_semaphore, #tpu.memory_space<semaphore_mem>>) src(%dma_wait3A_27 : memref<16384x32xf32, #tpu.memory_space<hbm>>) dst(%arg7 : memref<1024x32xf32, #tpu.memory_space<vmem>>)
    %add3A_28 = arith.constant 31744 : i32
    %add3A_29 = arith.addi %mul3A_2, %add3A_28 : i32
    "tpu.region"() ({
      %run_scoped3A = tpu.sem_alloc : memref<!tpu.dma_semaphore, #tpu.memory_space<semaphore_mem>>
      %dma_start3A_30 = arith.constant 0 : i32
      %dma_start3A_31 = tpu.memref_slice %arg4[%add3A_29, %dma_start3A_30] : memref<1048576x32xf32, #tpu.memory_space<hbm>> -> memref<1024x32xf32, #tpu.memory_space<hbm>>
      %dma_start3A_32 = arith.constant 0 : i32
      %dma_start3A_33 = tpu.memref_slice %arg4[%add3A_29, %dma_start3A_32] : memref<1048576x32xf32, #tpu.memory_space<hbm>> -> memref<1024x32xf32, #tpu.memory_space<hbm>>
      tpu.enqueue_dma source(%arg7 : memref<1024x32xf32, #tpu.memory_space<vmem>>) target(%dma_start3A_33 : memref<1024x32xf32, #tpu.memory_space<hbm>>) target_semaphore(%run_scoped3A : memref<!tpu.dma_semaphore, #tpu.memory_space<semaphore_mem>>)
      %dma_wait3A_34 = arith.constant 0 : i32
      %dma_wait3A_35 = tpu.memref_slice %arg4[%add3A_29, %dma_wait3A_34] : memref<1048576x32xf32, #tpu.memory_space<hbm>> -> memref<1024x32xf32, #tpu.memory_space<hbm>>
      %dma_wait3A_36 = arith.constant 0 : i32
      %dma_wait3A_37 = tpu.memref_slice %arg4[%add3A_29, %dma_wait3A_36] : memref<1048576x32xf32, #tpu.memory_space<hbm>> -> memref<1024x32xf32, #tpu.memory_space<hbm>>
      tpu.wait_dma2 semaphore(%run_scoped3A : memref<!tpu.dma_semaphore, #tpu.memory_space<semaphore_mem>>) src(%arg7 : memref<1024x32xf32, #tpu.memory_space<vmem>>) dst(%dma_wait3A_37 : memref<1024x32xf32, #tpu.memory_space<hbm>>)
      tpu.yield
    }) : () -> ()
    return
  }
}

module attributes {stable_mosaic.version = 14 : i64} {
  func.func @_stage_a_body(%arg0: i32, %arg1: i32, %arg2: memref<1x512x34xf32, #tpu.memory_space<vmem>>, %arg3: memref<34x128xf32, #tpu.memory_space<vmem>>, %arg4: memref<1x128xf32, #tpu.memory_space<vmem>>, %arg5: memref<128x24xf32, #tpu.memory_space<vmem>>, %arg6: memref<1x24xf32, #tpu.memory_space<vmem>>, %arg7: memref<512x2xf32, #tpu.memory_space<vmem>>, %arg8: memref<1x512x8xi32, #tpu.memory_space<vmem>>, %arg9: memref<1x512x8xi32, #tpu.memory_space<vmem>>, %arg10: memref<1x512x8xi32, #tpu.memory_space<vmem>>, %arg11: memref<1x512x8xi32, #tpu.memory_space<vmem>>, %arg12: memref<1x512x8xi32, #tpu.memory_space<vmem>>, %arg13: memref<1x512x8xi32, #tpu.memory_space<vmem>>, %arg14: memref<1x512x8xi32, #tpu.memory_space<vmem>>, %arg15: memref<1x512x8xi32, #tpu.memory_space<vmem>>, %arg16: memref<1x512x64xi32, #tpu.memory_space<vmem>>, %arg17: memref<1x512x64xf32, #tpu.memory_space<vmem>>) attributes {dimension_semantics = [#tpu.dimension_semantics<arbitrary>, #tpu.dimension_semantics<arbitrary>], iteration_bounds = array<i64: 4, 8>, scalar_prefetch = 0 : i64, scratch_operands = 0 : i64, tpu.core_type = #tpu.core_type<tc>, window_params = [{transform_indices = @transform_0, window_bounds = array<i64: 1, 512, 34>}, {pipeline_mode = #tpu.pipeline_mode<synchronous>, transform_indices = @transform_1, window_bounds = array<i64: 34, 128>}, {pipeline_mode = #tpu.pipeline_mode<synchronous>, transform_indices = @transform_2, window_bounds = array<i64: 1, 128>}, {pipeline_mode = #tpu.pipeline_mode<synchronous>, transform_indices = @transform_3, window_bounds = array<i64: 128, 24>}, {pipeline_mode = #tpu.pipeline_mode<synchronous>, transform_indices = @transform_4, window_bounds = array<i64: 1, 24>}, {transform_indices = @transform_5, window_bounds = array<i64: 512, 2>}, {transform_indices = @transform_6, window_bounds = array<i64: 1, 512, 8>}, {transform_indices = @transform_7, window_bounds = array<i64: 1, 512, 8>}, {transform_indices = @transform_8, window_bounds = array<i64: 1, 512, 8>}, {transform_indices = @transform_9, window_bounds = array<i64: 1, 512, 8>}, {transform_indices = @transform_10, window_bounds = array<i64: 1, 512, 8>}, {transform_indices = @transform_11, window_bounds = array<i64: 1, 512, 8>}, {transform_indices = @transform_12, window_bounds = array<i64: 1, 512, 8>}, {transform_indices = @transform_13, window_bounds = array<i64: 1, 512, 8>}, {transform_indices = @transform_14, window_bounds = array<i64: 1, 512, 64>}, {transform_indices = @transform_15, window_bounds = array<i64: 1, 512, 64>}]} {
    %get3A = arith.constant 0 : index
    %get3A_0 = arith.constant 0 : index
    %get3A_1 = arith.constant 0 : index
    %get3A_2 = vector.load %arg2[%get3A, %get3A_0, %get3A_1] : memref<1x512x34xf32, #tpu.memory_space<vmem>>, vector<1x512x34xf32>
    %get3A_3 = vector.shape_cast %get3A_2 : vector<1x512x34xf32> to vector<512x34xf32>
    %get3A_4 = arith.constant 0 : index
    %get3A_5 = arith.constant 0 : index
    %get3A_6 = vector.load %arg3[%get3A_4, %get3A_5] : memref<34x128xf32, #tpu.memory_space<vmem>>, vector<34x128xf32>
    %dot_general3A = arith.constant dense<0.000000e+00> : vector<512x128xf32>
    %dot_general3A_7 = tpu.matmul %get3A_3, %get3A_6, %dot_general3A {dimension_numbers = #tpu.dot_dimension_numbers<[1], [0], [0], [1], [0, 0, 1, 1], [], []>, transpose_lhs_hint = false} : vector<512x34xf32>, vector<34x128xf32>, vector<512x128xf32> -> vector<512x128xf32>
    %get3A_8 = arith.constant 0 : index
    %get3A_9 = arith.constant 0 : index
    %get3A_10 = vector.load %arg4[%get3A_8, %get3A_9] : memref<1x128xf32, #tpu.memory_space<vmem>>, vector<1x128xf32>
    %add3A = vector.broadcast %get3A_10 : vector<1x128xf32> to vector<512x128xf32>
    %add3A_11 = arith.addf %dot_general3A_7, %add3A : vector<512x128xf32>
    %max3A = arith.constant 0.000000e+00 : f32
    %max3A_12 = vector.broadcast %max3A : f32 to vector<512x128xf32>
    %max3A_13 = arith.maximumf %add3A_11, %max3A_12 : vector<512x128xf32>
    %get3A_14 = arith.constant 0 : index
    %get3A_15 = arith.constant 0 : index
    %get3A_16 = vector.load %arg5[%get3A_14, %get3A_15] : memref<128x24xf32, #tpu.memory_space<vmem>>, vector<128x24xf32>
    %dot_general3A_17 = arith.constant dense<0.000000e+00> : vector<512x24xf32>
    %dot_general3A_18 = tpu.matmul %max3A_13, %get3A_16, %dot_general3A_17 {dimension_numbers = #tpu.dot_dimension_numbers<[1], [0], [0], [1], [0, 0, 1, 1], [], []>, transpose_lhs_hint = false} : vector<512x128xf32>, vector<128x24xf32>, vector<512x24xf32> -> vector<512x24xf32>
    %get3A_19 = arith.constant 0 : index
    %get3A_20 = arith.constant 0 : index
    %get3A_21 = vector.load %arg6[%get3A_19, %get3A_20] : memref<1x24xf32, #tpu.memory_space<vmem>>, vector<1x24xf32>
    %add3A_22 = vector.broadcast %get3A_21 : vector<1x24xf32> to vector<512x24xf32>
    %add3A_23 = arith.addf %dot_general3A_18, %add3A_22 : vector<512x24xf32>
    %get3A_24 = arith.constant 0 : index
    %get3A_25 = arith.constant 0 : index
    %get3A_26 = vector.load %arg7[%get3A_24, %get3A_25] : memref<512x2xf32, #tpu.memory_space<vmem>>, vector<512x1xf32>
    %slice3A = vector.extract_strided_slice %add3A_23 {offsets = [0, 0], sizes = [512, 8], strides = [1, 1]} : vector<512x24xf32> to vector<512x8xf32>
    %add3A_27 = vector.broadcast %get3A_26 : vector<512x1xf32> to vector<512x8xf32>
    %add3A_28 = arith.addf %add3A_27, %slice3A : vector<512x8xf32>
    %jit3A = arith.constant 6.400000e+01 : f32
    %rem3A = vector.broadcast %jit3A : f32 to vector<512x8xf32>
    %rem3A_29 = arith.remf %add3A_28, %rem3A : vector<512x8xf32>
    %ne3A = arith.constant 0.000000e+00 : f32
    %ne3A_30 = vector.broadcast %ne3A : f32 to vector<512x8xf32>
    %ne3A_31 = arith.cmpf one, %rem3A_29, %ne3A_30 : vector<512x8xf32>
    %lt3A = arith.constant 0.000000e+00 : f32
    %lt3A_32 = vector.broadcast %lt3A : f32 to vector<512x8xf32>
    %lt3A_33 = arith.cmpf olt, %rem3A_29, %lt3A_32 : vector<512x8xf32>
    %lt3A_34 = arith.constant 0.000000e+00 : f32
    %lt3A_35 = arith.cmpf olt, %jit3A, %lt3A_34 : f32
    %ne3A_36 = vector.broadcast %lt3A_35 : i1 to vector<512x8xi1>
    %ne3A_37 = vector.broadcast %ne3A_36 : vector<512x8xi1> to vector<512x8xi1>
    %ne3A_38 = arith.xori %lt3A_33, %ne3A_37 : vector<512x8xi1>
    %and3A = arith.andi %ne3A_38, %ne3A_31 : vector<512x8xi1>
    %add3A_39 = vector.broadcast %jit3A : f32 to vector<512x8xf32>
    %add3A_40 = arith.addf %rem3A_29, %add3A_39 : vector<512x8xf32>
    %select_n3A = arith.select %and3A, %add3A_40, %rem3A_29 : vector<512x8xi1>, vector<512x8xf32>
    %get3A_41 = arith.constant 0 : index
    %get3A_42 = arith.constant 1 : index
    %get3A_43 = vector.load %arg7[%get3A_41, %get3A_42] : memref<512x2xf32, #tpu.memory_space<vmem>>, vector<512x1xf32>
    %slice3A_44 = vector.extract_strided_slice %add3A_23 {offsets = [0, 8], sizes = [512, 8], strides = [1, 1]} : vector<512x24xf32> to vector<512x8xf32>
    %add3A_45 = vector.broadcast %get3A_43 : vector<512x1xf32> to vector<512x8xf32>
    %add3A_46 = arith.addf %add3A_45, %slice3A_44 : vector<512x8xf32>
    %jit3A_47 = arith.constant 6.400000e+01 : f32
    %rem3A_48 = vector.broadcast %jit3A_47 : f32 to vector<512x8xf32>
    %rem3A_49 = arith.remf %add3A_46, %rem3A_48 : vector<512x8xf32>
    %ne3A_50 = arith.constant 0.000000e+00 : f32
    %ne3A_51 = vector.broadcast %ne3A_50 : f32 to vector<512x8xf32>
    %ne3A_52 = arith.cmpf one, %rem3A_49, %ne3A_51 : vector<512x8xf32>
    %lt3A_53 = arith.constant 0.000000e+00 : f32
    %lt3A_54 = vector.broadcast %lt3A_53 : f32 to vector<512x8xf32>
    %lt3A_55 = arith.cmpf olt, %rem3A_49, %lt3A_54 : vector<512x8xf32>
    %lt3A_56 = arith.constant 0.000000e+00 : f32
    %lt3A_57 = arith.cmpf olt, %jit3A_47, %lt3A_56 : f32
    %ne3A_58 = vector.broadcast %lt3A_57 : i1 to vector<512x8xi1>
    %ne3A_59 = vector.broadcast %ne3A_58 : vector<512x8xi1> to vector<512x8xi1>
    %ne3A_60 = arith.xori %lt3A_55, %ne3A_59 : vector<512x8xi1>
    %and3A_61 = arith.andi %ne3A_60, %ne3A_52 : vector<512x8xi1>
    %add3A_62 = vector.broadcast %jit3A_47 : f32 to vector<512x8xf32>
    %add3A_63 = arith.addf %rem3A_49, %add3A_62 : vector<512x8xf32>
    %select_n3A_64 = arith.select %and3A_61, %add3A_63, %rem3A_49 : vector<512x8xi1>, vector<512x8xf32>
    %slice3A_65 = vector.extract_strided_slice %add3A_23 {offsets = [0, 16], sizes = [512, 8], strides = [1, 1]} : vector<512x24xf32> to vector<512x8xf32>
    %add3A_66 = arith.constant 2.000000e+00 : f32
    %add3A_67 = vector.broadcast %add3A_66 : f32 to vector<512x8xf32>
    %add3A_68 = arith.addf %slice3A_65, %add3A_67 : vector<512x8xf32>
    %custom_jvp_call3A = arith.constant 0.000000e+00 : f32
    %max3A_69 = vector.broadcast %custom_jvp_call3A : f32 to vector<512x8xf32>
    %max3A_70 = arith.maximumf %add3A_68, %max3A_69 : vector<512x8xf32>
    %sub3A = vector.broadcast %custom_jvp_call3A : f32 to vector<512x8xf32>
    %sub3A_71 = arith.subf %add3A_68, %sub3A : vector<512x8xf32>
    %ne3A_72 = arith.cmpf one, %sub3A_71, %sub3A_71 : vector<512x8xf32>
    %add3A_73 = vector.broadcast %custom_jvp_call3A : f32 to vector<512x8xf32>
    %add3A_74 = arith.addf %add3A_68, %add3A_73 : vector<512x8xf32>
    %abs3A = math.absf %sub3A_71 : vector<512x8xf32>
    %neg3A = arith.constant 0.000000e+00 : f32
    %neg3A_75 = vector.broadcast %neg3A : f32 to vector<512x8xf32>
    %neg3A_76 = arith.subf %neg3A_75, %abs3A : vector<512x8xf32>
    %exp3A = math.exp %neg3A_76 : vector<512x8xf32>
    %log1p3A = math.log1p %exp3A : vector<512x8xf32>
    %add3A_77 = arith.addf %max3A_70, %log1p3A : vector<512x8xf32>
    %select_n3A_78 = arith.select %ne3A_72, %add3A_74, %add3A_77 : vector<512x8xi1>, vector<512x8xf32>
    %add3A_79 = arith.constant 5.000000e-02 : f32
    %add3A_80 = vector.broadcast %add3A_79 : f32 to vector<512x8xf32>
    %add3A_81 = arith.addf %select_n3A_78, %add3A_80 : vector<512x8xf32>
    %mul3A = arith.constant 6.400000e+01 : f32
    %mul3A_82 = arith.constant 5.000000e-02 : f32
    %mul3A_83 = arith.mulf %mul3A, %mul3A_82 : f32
    %mul3A_84 = vector.broadcast %mul3A_83 : f32 to vector<512x8xf32>
    %mul3A_85 = arith.mulf %add3A_81, %mul3A_84 : vector<512x8xf32>
    %floor3A = math.floor %select_n3A : vector<512x8xf32>
    %convert_element_type3A = arith.fptosi %floor3A : vector<512x8xf32> to vector<512x8xi32>
    %floor3A_86 = math.floor %select_n3A_64 : vector<512x8xf32>
    %convert_element_type3A_87 = arith.fptosi %floor3A_86 : vector<512x8xf32> to vector<512x8xi32>
    %add3A_88 = arith.constant 0 : i32
    %add3A_89 = vector.broadcast %add3A_88 : i32 to vector<512x8xi32>
    %add3A_90 = arith.addi %convert_element_type3A, %add3A_89 : vector<512x8xi32>
    %jit3A_91 = arith.constant 64 : i32
    %eq3A = arith.constant 0 : i32
    %eq3A_92 = arith.cmpi eq, %jit3A_91, %eq3A : i32
    %jit3A_93 = arith.constant 1 : i32
    %select_n3A_94 = arith.select %eq3A_92, %jit3A_93, %jit3A_91 : i32
    %rem3A_95 = vector.broadcast %select_n3A_94 : i32 to vector<512x8xi32>
    %rem3A_96 = arith.remsi %add3A_90, %rem3A_95 : vector<512x8xi32>
    %ne3A_97 = arith.constant 0 : i32
    %ne3A_98 = vector.broadcast %ne3A_97 : i32 to vector<512x8xi32>
    %ne3A_99 = arith.cmpi ne, %rem3A_96, %ne3A_98 : vector<512x8xi32>
    %lt3A_100 = arith.constant 0 : i32
    %lt3A_101 = vector.broadcast %lt3A_100 : i32 to vector<512x8xi32>
    %lt3A_102 = arith.cmpi slt, %rem3A_96, %lt3A_101 : vector<512x8xi32>
    %lt3A_103 = arith.constant 0 : i32
    %lt3A_104 = arith.cmpi slt, %select_n3A_94, %lt3A_103 : i32
    %ne3A_105 = vector.broadcast %lt3A_104 : i1 to vector<512x8xi1>
    %ne3A_106 = vector.broadcast %ne3A_105 : vector<512x8xi1> to vector<512x8xi1>
    %ne3A_107 = arith.xori %lt3A_102, %ne3A_106 : vector<512x8xi1>
    %and3A_108 = arith.andi %ne3A_107, %ne3A_99 : vector<512x8xi1>
    %add3A_109 = vector.broadcast %select_n3A_94 : i32 to vector<512x8xi32>
    %add3A_110 = arith.addi %rem3A_96, %add3A_109 : vector<512x8xi32>
    %select_n3A_111 = arith.select %and3A_108, %add3A_110, %rem3A_96 : vector<512x8xi1>, vector<512x8xi32>
    %add3A_112 = arith.constant 0 : i32
    %add3A_113 = vector.broadcast %add3A_112 : i32 to vector<512x8xi32>
    %add3A_114 = arith.addi %convert_element_type3A_87, %add3A_113 : vector<512x8xi32>
    %jit3A_115 = arith.constant 64 : i32
    %eq3A_116 = arith.constant 0 : i32
    %eq3A_117 = arith.cmpi eq, %jit3A_115, %eq3A_116 : i32
    %jit3A_118 = arith.constant 1 : i32
    %select_n3A_119 = arith.select %eq3A_117, %jit3A_118, %jit3A_115 : i32
    %rem3A_120 = vector.broadcast %select_n3A_119 : i32 to vector<512x8xi32>
    %rem3A_121 = arith.remsi %add3A_114, %rem3A_120 : vector<512x8xi32>
    %ne3A_122 = arith.constant 0 : i32
    %ne3A_123 = vector.broadcast %ne3A_122 : i32 to vector<512x8xi32>
    %ne3A_124 = arith.cmpi ne, %rem3A_121, %ne3A_123 : vector<512x8xi32>
    %lt3A_125 = arith.constant 0 : i32
    %lt3A_126 = vector.broadcast %lt3A_125 : i32 to vector<512x8xi32>
    %lt3A_127 = arith.cmpi slt, %rem3A_121, %lt3A_126 : vector<512x8xi32>
    %lt3A_128 = arith.constant 0 : i32
    %lt3A_129 = arith.cmpi slt, %select_n3A_119, %lt3A_128 : i32
    %ne3A_130 = vector.broadcast %lt3A_129 : i1 to vector<512x8xi1>
    %ne3A_131 = vector.broadcast %ne3A_130 : vector<512x8xi1> to vector<512x8xi1>
    %ne3A_132 = arith.xori %lt3A_127, %ne3A_131 : vector<512x8xi1>
    %and3A_133 = arith.andi %ne3A_132, %ne3A_124 : vector<512x8xi1>
    %add3A_134 = vector.broadcast %select_n3A_119 : i32 to vector<512x8xi32>
    %add3A_135 = arith.addi %rem3A_121, %add3A_134 : vector<512x8xi32>
    %select_n3A_136 = arith.select %and3A_133, %add3A_135, %rem3A_121 : vector<512x8xi1>, vector<512x8xi32>
    %add3A_137 = arith.constant 0 : i32
    %add3A_138 = vector.broadcast %add3A_137 : i32 to vector<512x8xi32>
    %add3A_139 = arith.addi %convert_element_type3A, %add3A_138 : vector<512x8xi32>
    %jit3A_140 = arith.constant 64 : i32
    %eq3A_141 = arith.constant 0 : i32
    %eq3A_142 = arith.cmpi eq, %jit3A_140, %eq3A_141 : i32
    %jit3A_143 = arith.constant 1 : i32
    %select_n3A_144 = arith.select %eq3A_142, %jit3A_143, %jit3A_140 : i32
    %rem3A_145 = vector.broadcast %select_n3A_144 : i32 to vector<512x8xi32>
    %rem3A_146 = arith.remsi %add3A_139, %rem3A_145 : vector<512x8xi32>
    %ne3A_147 = arith.constant 0 : i32
    %ne3A_148 = vector.broadcast %ne3A_147 : i32 to vector<512x8xi32>
    %ne3A_149 = arith.cmpi ne, %rem3A_146, %ne3A_148 : vector<512x8xi32>
    %lt3A_150 = arith.constant 0 : i32
    %lt3A_151 = vector.broadcast %lt3A_150 : i32 to vector<512x8xi32>
    %lt3A_152 = arith.cmpi slt, %rem3A_146, %lt3A_151 : vector<512x8xi32>
    %lt3A_153 = arith.constant 0 : i32
    %lt3A_154 = arith.cmpi slt, %select_n3A_144, %lt3A_153 : i32
    %ne3A_155 = vector.broadcast %lt3A_154 : i1 to vector<512x8xi1>
    %ne3A_156 = vector.broadcast %ne3A_155 : vector<512x8xi1> to vector<512x8xi1>
    %ne3A_157 = arith.xori %lt3A_152, %ne3A_156 : vector<512x8xi1>
    %and3A_158 = arith.andi %ne3A_157, %ne3A_149 : vector<512x8xi1>
    %add3A_159 = vector.broadcast %select_n3A_144 : i32 to vector<512x8xi32>
    %add3A_160 = arith.addi %rem3A_146, %add3A_159 : vector<512x8xi32>
    %select_n3A_161 = arith.select %and3A_158, %add3A_160, %rem3A_146 : vector<512x8xi1>, vector<512x8xi32>
    %add3A_162 = arith.constant 1 : i32
    %add3A_163 = vector.broadcast %add3A_162 : i32 to vector<512x8xi32>
    %add3A_164 = arith.addi %convert_element_type3A_87, %add3A_163 : vector<512x8xi32>
    %jit3A_165 = arith.constant 64 : i32
    %eq3A_166 = arith.constant 0 : i32
    %eq3A_167 = arith.cmpi eq, %jit3A_165, %eq3A_166 : i32
    %jit3A_168 = arith.constant 1 : i32
    %select_n3A_169 = arith.select %eq3A_167, %jit3A_168, %jit3A_165 : i32
    %rem3A_170 = vector.broadcast %select_n3A_169 : i32 to vector<512x8xi32>
    %rem3A_171 = arith.remsi %add3A_164, %rem3A_170 : vector<512x8xi32>
    %ne3A_172 = arith.constant 0 : i32
    %ne3A_173 = vector.broadcast %ne3A_172 : i32 to vector<512x8xi32>
    %ne3A_174 = arith.cmpi ne, %rem3A_171, %ne3A_173 : vector<512x8xi32>
    %lt3A_175 = arith.constant 0 : i32
    %lt3A_176 = vector.broadcast %lt3A_175 : i32 to vector<512x8xi32>
    %lt3A_177 = arith.cmpi slt, %rem3A_171, %lt3A_176 : vector<512x8xi32>
    %lt3A_178 = arith.constant 0 : i32
    %lt3A_179 = arith.cmpi slt, %select_n3A_169, %lt3A_178 : i32
    %ne3A_180 = vector.broadcast %lt3A_179 : i1 to vector<512x8xi1>
    %ne3A_181 = vector.broadcast %ne3A_180 : vector<512x8xi1> to vector<512x8xi1>
    %ne3A_182 = arith.xori %lt3A_177, %ne3A_181 : vector<512x8xi1>
    %and3A_183 = arith.andi %ne3A_182, %ne3A_174 : vector<512x8xi1>
    %add3A_184 = vector.broadcast %select_n3A_169 : i32 to vector<512x8xi32>
    %add3A_185 = arith.addi %rem3A_171, %add3A_184 : vector<512x8xi32>
    %select_n3A_186 = arith.select %and3A_183, %add3A_185, %rem3A_171 : vector<512x8xi1>, vector<512x8xi32>
    %add3A_187 = arith.constant 1 : i32
    %add3A_188 = vector.broadcast %add3A_187 : i32 to vector<512x8xi32>
    %add3A_189 = arith.addi %convert_element_type3A, %add3A_188 : vector<512x8xi32>
    %jit3A_190 = arith.constant 64 : i32
    %eq3A_191 = arith.constant 0 : i32
    %eq3A_192 = arith.cmpi eq, %jit3A_190, %eq3A_191 : i32
    %jit3A_193 = arith.constant 1 : i32
    %select_n3A_194 = arith.select %eq3A_192, %jit3A_193, %jit3A_190 : i32
    %rem3A_195 = vector.broadcast %select_n3A_194 : i32 to vector<512x8xi32>
    %rem3A_196 = arith.remsi %add3A_189, %rem3A_195 : vector<512x8xi32>
    %ne3A_197 = arith.constant 0 : i32
    %ne3A_198 = vector.broadcast %ne3A_197 : i32 to vector<512x8xi32>
    %ne3A_199 = arith.cmpi ne, %rem3A_196, %ne3A_198 : vector<512x8xi32>
    %lt3A_200 = arith.constant 0 : i32
    %lt3A_201 = vector.broadcast %lt3A_200 : i32 to vector<512x8xi32>
    %lt3A_202 = arith.cmpi slt, %rem3A_196, %lt3A_201 : vector<512x8xi32>
    %lt3A_203 = arith.constant 0 : i32
    %lt3A_204 = arith.cmpi slt, %select_n3A_194, %lt3A_203 : i32
    %ne3A_205 = vector.broadcast %lt3A_204 : i1 to vector<512x8xi1>
    %ne3A_206 = vector.broadcast %ne3A_205 : vector<512x8xi1> to vector<512x8xi1>
    %ne3A_207 = arith.xori %lt3A_202, %ne3A_206 : vector<512x8xi1>
    %and3A_208 = arith.andi %ne3A_207, %ne3A_199 : vector<512x8xi1>
    %add3A_209 = vector.broadcast %select_n3A_194 : i32 to vector<512x8xi32>
    %add3A_210 = arith.addi %rem3A_196, %add3A_209 : vector<512x8xi32>
    %select_n3A_211 = arith.select %and3A_208, %add3A_210, %rem3A_196 : vector<512x8xi1>, vector<512x8xi32>
    %add3A_212 = arith.constant 0 : i32
    %add3A_213 = vector.broadcast %add3A_212 : i32 to vector<512x8xi32>
    %add3A_214 = arith.addi %convert_element_type3A_87, %add3A_213 : vector<512x8xi32>
    %jit3A_215 = arith.constant 64 : i32
    %eq3A_216 = arith.constant 0 : i32
    %eq3A_217 = arith.cmpi eq, %jit3A_215, %eq3A_216 : i32
    %jit3A_218 = arith.constant 1 : i32
    %select_n3A_219 = arith.select %eq3A_217, %jit3A_218, %jit3A_215 : i32
    %rem3A_220 = vector.broadcast %select_n3A_219 : i32 to vector<512x8xi32>
    %rem3A_221 = arith.remsi %add3A_214, %rem3A_220 : vector<512x8xi32>
    %ne3A_222 = arith.constant 0 : i32
    %ne3A_223 = vector.broadcast %ne3A_222 : i32 to vector<512x8xi32>
    %ne3A_224 = arith.cmpi ne, %rem3A_221, %ne3A_223 : vector<512x8xi32>
    %lt3A_225 = arith.constant 0 : i32
    %lt3A_226 = vector.broadcast %lt3A_225 : i32 to vector<512x8xi32>
    %lt3A_227 = arith.cmpi slt, %rem3A_221, %lt3A_226 : vector<512x8xi32>
    %lt3A_228 = arith.constant 0 : i32
    %lt3A_229 = arith.cmpi slt, %select_n3A_219, %lt3A_228 : i32
    %ne3A_230 = vector.broadcast %lt3A_229 : i1 to vector<512x8xi1>
    %ne3A_231 = vector.broadcast %ne3A_230 : vector<512x8xi1> to vector<512x8xi1>
    %ne3A_232 = arith.xori %lt3A_227, %ne3A_231 : vector<512x8xi1>
    %and3A_233 = arith.andi %ne3A_232, %ne3A_224 : vector<512x8xi1>
    %add3A_234 = vector.broadcast %select_n3A_219 : i32 to vector<512x8xi32>
    %add3A_235 = arith.addi %rem3A_221, %add3A_234 : vector<512x8xi32>
    %select_n3A_236 = arith.select %and3A_233, %add3A_235, %rem3A_221 : vector<512x8xi1>, vector<512x8xi32>
    %add3A_237 = arith.constant 1 : i32
    %add3A_238 = vector.broadcast %add3A_237 : i32 to vector<512x8xi32>
    %add3A_239 = arith.addi %convert_element_type3A, %add3A_238 : vector<512x8xi32>
    %jit3A_240 = arith.constant 64 : i32
    %eq3A_241 = arith.constant 0 : i32
    %eq3A_242 = arith.cmpi eq, %jit3A_240, %eq3A_241 : i32
    %jit3A_243 = arith.constant 1 : i32
    %select_n3A_244 = arith.select %eq3A_242, %jit3A_243, %jit3A_240 : i32
    %rem3A_245 = vector.broadcast %select_n3A_244 : i32 to vector<512x8xi32>
    %rem3A_246 = arith.remsi %add3A_239, %rem3A_245 : vector<512x8xi32>
    %ne3A_247 = arith.constant 0 : i32
    %ne3A_248 = vector.broadcast %ne3A_247 : i32 to vector<512x8xi32>
    %ne3A_249 = arith.cmpi ne, %rem3A_246, %ne3A_248 : vector<512x8xi32>
    %lt3A_250 = arith.constant 0 : i32
    %lt3A_251 = vector.broadcast %lt3A_250 : i32 to vector<512x8xi32>
    %lt3A_252 = arith.cmpi slt, %rem3A_246, %lt3A_251 : vector<512x8xi32>
    %lt3A_253 = arith.constant 0 : i32
    %lt3A_254 = arith.cmpi slt, %select_n3A_244, %lt3A_253 : i32
    %ne3A_255 = vector.broadcast %lt3A_254 : i1 to vector<512x8xi1>
    %ne3A_256 = vector.broadcast %ne3A_255 : vector<512x8xi1> to vector<512x8xi1>
    %ne3A_257 = arith.xori %lt3A_252, %ne3A_256 : vector<512x8xi1>
    %and3A_258 = arith.andi %ne3A_257, %ne3A_249 : vector<512x8xi1>
    %add3A_259 = vector.broadcast %select_n3A_244 : i32 to vector<512x8xi32>
    %add3A_260 = arith.addi %rem3A_246, %add3A_259 : vector<512x8xi32>
    %select_n3A_261 = arith.select %and3A_258, %add3A_260, %rem3A_246 : vector<512x8xi1>, vector<512x8xi32>
    %add3A_262 = arith.constant 1 : i32
    %add3A_263 = vector.broadcast %add3A_262 : i32 to vector<512x8xi32>
    %add3A_264 = arith.addi %convert_element_type3A_87, %add3A_263 : vector<512x8xi32>
    %jit3A_265 = arith.constant 64 : i32
    %eq3A_266 = arith.constant 0 : i32
    %eq3A_267 = arith.cmpi eq, %jit3A_265, %eq3A_266 : i32
    %jit3A_268 = arith.constant 1 : i32
    %select_n3A_269 = arith.select %eq3A_267, %jit3A_268, %jit3A_265 : i32
    %rem3A_270 = vector.broadcast %select_n3A_269 : i32 to vector<512x8xi32>
    %rem3A_271 = arith.remsi %add3A_264, %rem3A_270 : vector<512x8xi32>
    %ne3A_272 = arith.constant 0 : i32
    %ne3A_273 = vector.broadcast %ne3A_272 : i32 to vector<512x8xi32>
    %ne3A_274 = arith.cmpi ne, %rem3A_271, %ne3A_273 : vector<512x8xi32>
    %lt3A_275 = arith.constant 0 : i32
    %lt3A_276 = vector.broadcast %lt3A_275 : i32 to vector<512x8xi32>
    %lt3A_277 = arith.cmpi slt, %rem3A_271, %lt3A_276 : vector<512x8xi32>
    %lt3A_278 = arith.constant 0 : i32
    %lt3A_279 = arith.cmpi slt, %select_n3A_269, %lt3A_278 : i32
    %ne3A_280 = vector.broadcast %lt3A_279 : i1 to vector<512x8xi1>
    %ne3A_281 = vector.broadcast %ne3A_280 : vector<512x8xi1> to vector<512x8xi1>
    %ne3A_282 = arith.xori %lt3A_277, %ne3A_281 : vector<512x8xi1>
    %and3A_283 = arith.andi %ne3A_282, %ne3A_274 : vector<512x8xi1>
    %add3A_284 = vector.broadcast %select_n3A_269 : i32 to vector<512x8xi32>
    %add3A_285 = arith.addi %rem3A_271, %add3A_284 : vector<512x8xi32>
    %select_n3A_286 = arith.select %and3A_283, %add3A_285, %rem3A_271 : vector<512x8xi1>, vector<512x8xi32>
    %get3A_287 = arith.constant 0 : index
    %get3A_288 = arith.constant 0 : index
    %get3A_289 = arith.constant 0 : index
    %get3A_290 = vector.load %arg8[%get3A_287, %get3A_288, %get3A_289] : memref<1x512x8xi32, #tpu.memory_space<vmem>>, vector<1x512x8xi32>
    %get3A_291 = vector.shape_cast %get3A_290 : vector<1x512x8xi32> to vector<512x8xi32>
    %get3A_292 = arith.constant 0 : index
    %get3A_293 = arith.constant 0 : index
    %get3A_294 = arith.constant 0 : index
    %get3A_295 = vector.load %arg9[%get3A_292, %get3A_293, %get3A_294] : memref<1x512x8xi32, #tpu.memory_space<vmem>>, vector<1x512x8xi32>
    %get3A_296 = vector.shape_cast %get3A_295 : vector<1x512x8xi32> to vector<512x8xi32>
    %get3A_297 = arith.constant 0 : index
    %get3A_298 = arith.constant 0 : index
    %get3A_299 = arith.constant 0 : index
    %get3A_300 = vector.load %arg10[%get3A_297, %get3A_298, %get3A_299] : memref<1x512x8xi32, #tpu.memory_space<vmem>>, vector<1x512x8xi32>
    %get3A_301 = vector.shape_cast %get3A_300 : vector<1x512x8xi32> to vector<512x8xi32>
    %get3A_302 = arith.constant 0 : index
    %get3A_303 = arith.constant 0 : index
    %get3A_304 = arith.constant 0 : index
    %get3A_305 = vector.load %arg11[%get3A_302, %get3A_303, %get3A_304] : memref<1x512x8xi32, #tpu.memory_space<vmem>>, vector<1x512x8xi32>
    %get3A_306 = vector.shape_cast %get3A_305 : vector<1x512x8xi32> to vector<512x8xi32>
    %get3A_307 = arith.constant 0 : index
    %get3A_308 = arith.constant 0 : index
    %get3A_309 = arith.constant 0 : index
    %get3A_310 = vector.load %arg12[%get3A_307, %get3A_308, %get3A_309] : memref<1x512x8xi32, #tpu.memory_space<vmem>>, vector<1x512x8xi32>
    %get3A_311 = vector.shape_cast %get3A_310 : vector<1x512x8xi32> to vector<512x8xi32>
    %add3A_312 = arith.addi %convert_element_type3A, %get3A_311 : vector<512x8xi32>
    %jit3A_313 = arith.constant 64 : i32
    %eq3A_314 = arith.constant 0 : i32
    %eq3A_315 = arith.cmpi eq, %jit3A_313, %eq3A_314 : i32
    %jit3A_316 = arith.constant 1 : i32
    %select_n3A_317 = arith.select %eq3A_315, %jit3A_316, %jit3A_313 : i32
    %rem3A_318 = vector.broadcast %select_n3A_317 : i32 to vector<512x8xi32>
    %rem3A_319 = arith.remsi %add3A_312, %rem3A_318 : vector<512x8xi32>
    %ne3A_320 = arith.constant 0 : i32
    %ne3A_321 = vector.broadcast %ne3A_320 : i32 to vector<512x8xi32>
    %ne3A_322 = arith.cmpi ne, %rem3A_319, %ne3A_321 : vector<512x8xi32>
    %lt3A_323 = arith.constant 0 : i32
    %lt3A_324 = vector.broadcast %lt3A_323 : i32 to vector<512x8xi32>
    %lt3A_325 = arith.cmpi slt, %rem3A_319, %lt3A_324 : vector<512x8xi32>
    %lt3A_326 = arith.constant 0 : i32
    %lt3A_327 = arith.cmpi slt, %select_n3A_317, %lt3A_326 : i32
    %ne3A_328 = vector.broadcast %lt3A_327 : i1 to vector<512x8xi1>
    %ne3A_329 = vector.broadcast %ne3A_328 : vector<512x8xi1> to vector<512x8xi1>
    %ne3A_330 = arith.xori %lt3A_325, %ne3A_329 : vector<512x8xi1>
    %and3A_331 = arith.andi %ne3A_330, %ne3A_322 : vector<512x8xi1>
    %add3A_332 = vector.broadcast %select_n3A_317 : i32 to vector<512x8xi32>
    %add3A_333 = arith.addi %rem3A_319, %add3A_332 : vector<512x8xi32>
    %select_n3A_334 = arith.select %and3A_331, %add3A_333, %rem3A_319 : vector<512x8xi1>, vector<512x8xi32>
    %get3A_335 = arith.constant 0 : index
    %get3A_336 = arith.constant 0 : index
    %get3A_337 = arith.constant 0 : index
    %get3A_338 = vector.load %arg13[%get3A_335, %get3A_336, %get3A_337] : memref<1x512x8xi32, #tpu.memory_space<vmem>>, vector<1x512x8xi32>
    %get3A_339 = vector.shape_cast %get3A_338 : vector<1x512x8xi32> to vector<512x8xi32>
    %add3A_340 = arith.addi %convert_element_type3A_87, %get3A_339 : vector<512x8xi32>
    %jit3A_341 = arith.constant 64 : i32
    %eq3A_342 = arith.constant 0 : i32
    %eq3A_343 = arith.cmpi eq, %jit3A_341, %eq3A_342 : i32
    %jit3A_344 = arith.constant 1 : i32
    %select_n3A_345 = arith.select %eq3A_343, %jit3A_344, %jit3A_341 : i32
    %rem3A_346 = vector.broadcast %select_n3A_345 : i32 to vector<512x8xi32>
    %rem3A_347 = arith.remsi %add3A_340, %rem3A_346 : vector<512x8xi32>
    %ne3A_348 = arith.constant 0 : i32
    %ne3A_349 = vector.broadcast %ne3A_348 : i32 to vector<512x8xi32>
    %ne3A_350 = arith.cmpi ne, %rem3A_347, %ne3A_349 : vector<512x8xi32>
    %lt3A_351 = arith.constant 0 : i32
    %lt3A_352 = vector.broadcast %lt3A_351 : i32 to vector<512x8xi32>
    %lt3A_353 = arith.cmpi slt, %rem3A_347, %lt3A_352 : vector<512x8xi32>
    %lt3A_354 = arith.constant 0 : i32
    %lt3A_355 = arith.cmpi slt, %select_n3A_345, %lt3A_354 : i32
    %ne3A_356 = vector.broadcast %lt3A_355 : i1 to vector<512x8xi1>
    %ne3A_357 = vector.broadcast %ne3A_356 : vector<512x8xi1> to vector<512x8xi1>
    %ne3A_358 = arith.xori %lt3A_353, %ne3A_357 : vector<512x8xi1>
    %and3A_359 = arith.andi %ne3A_358, %ne3A_350 : vector<512x8xi1>
    %add3A_360 = vector.broadcast %select_n3A_345 : i32 to vector<512x8xi32>
    %add3A_361 = arith.addi %rem3A_347, %add3A_360 : vector<512x8xi32>
    %select_n3A_362 = arith.select %and3A_359, %add3A_361, %rem3A_347 : vector<512x8xi1>, vector<512x8xi32>
    %get3A_363 = arith.constant 0 : index
    %get3A_364 = arith.constant 0 : index
    %get3A_365 = arith.constant 0 : index
    %get3A_366 = vector.load %arg14[%get3A_363, %get3A_364, %get3A_365] : memref<1x512x8xi32, #tpu.memory_space<vmem>>, vector<1x512x8xi32>
    %get3A_367 = vector.shape_cast %get3A_366 : vector<1x512x8xi32> to vector<512x8xi32>
    %add3A_368 = arith.addi %convert_element_type3A, %get3A_367 : vector<512x8xi32>
    %jit3A_369 = arith.constant 64 : i32
    %eq3A_370 = arith.constant 0 : i32
    %eq3A_371 = arith.cmpi eq, %jit3A_369, %eq3A_370 : i32
    %jit3A_372 = arith.constant 1 : i32
    %select_n3A_373 = arith.select %eq3A_371, %jit3A_372, %jit3A_369 : i32
    %rem3A_374 = vector.broadcast %select_n3A_373 : i32 to vector<512x8xi32>
    %rem3A_375 = arith.remsi %add3A_368, %rem3A_374 : vector<512x8xi32>
    %ne3A_376 = arith.constant 0 : i32
    %ne3A_377 = vector.broadcast %ne3A_376 : i32 to vector<512x8xi32>
    %ne3A_378 = arith.cmpi ne, %rem3A_375, %ne3A_377 : vector<512x8xi32>
    %lt3A_379 = arith.constant 0 : i32
    %lt3A_380 = vector.broadcast %lt3A_379 : i32 to vector<512x8xi32>
    %lt3A_381 = arith.cmpi slt, %rem3A_375, %lt3A_380 : vector<512x8xi32>
    %lt3A_382 = arith.constant 0 : i32
    %lt3A_383 = arith.cmpi slt, %select_n3A_373, %lt3A_382 : i32
    %ne3A_384 = vector.broadcast %lt3A_383 : i1 to vector<512x8xi1>
    %ne3A_385 = vector.broadcast %ne3A_384 : vector<512x8xi1> to vector<512x8xi1>
    %ne3A_386 = arith.xori %lt3A_381, %ne3A_385 : vector<512x8xi1>
    %and3A_387 = arith.andi %ne3A_386, %ne3A_378 : vector<512x8xi1>
    %add3A_388 = vector.broadcast %select_n3A_373 : i32 to vector<512x8xi32>
    %add3A_389 = arith.addi %rem3A_375, %add3A_388 : vector<512x8xi32>
    %select_n3A_390 = arith.select %and3A_387, %add3A_389, %rem3A_375 : vector<512x8xi1>, vector<512x8xi32>
    %get3A_391 = arith.constant 0 : index
    %get3A_392 = arith.constant 0 : index
    %get3A_393 = arith.constant 0 : index
    %get3A_394 = vector.load %arg15[%get3A_391, %get3A_392, %get3A_393] : memref<1x512x8xi32, #tpu.memory_space<vmem>>, vector<1x512x8xi32>
    %get3A_395 = vector.shape_cast %get3A_394 : vector<1x512x8xi32> to vector<512x8xi32>
    %add3A_396 = arith.addi %convert_element_type3A_87, %get3A_395 : vector<512x8xi32>
    %jit3A_397 = arith.constant 64 : i32
    %eq3A_398 = arith.constant 0 : i32
    %eq3A_399 = arith.cmpi eq, %jit3A_397, %eq3A_398 : i32
    %jit3A_400 = arith.constant 1 : i32
    %select_n3A_401 = arith.select %eq3A_399, %jit3A_400, %jit3A_397 : i32
    %rem3A_402 = vector.broadcast %select_n3A_401 : i32 to vector<512x8xi32>
    %rem3A_403 = arith.remsi %add3A_396, %rem3A_402 : vector<512x8xi32>
    %ne3A_404 = arith.constant 0 : i32
    %ne3A_405 = vector.broadcast %ne3A_404 : i32 to vector<512x8xi32>
    %ne3A_406 = arith.cmpi ne, %rem3A_403, %ne3A_405 : vector<512x8xi32>
    %lt3A_407 = arith.constant 0 : i32
    %lt3A_408 = vector.broadcast %lt3A_407 : i32 to vector<512x8xi32>
    %lt3A_409 = arith.cmpi slt, %rem3A_403, %lt3A_408 : vector<512x8xi32>
    %lt3A_410 = arith.constant 0 : i32
    %lt3A_411 = arith.cmpi slt, %select_n3A_401, %lt3A_410 : i32
    %ne3A_412 = vector.broadcast %lt3A_411 : i1 to vector<512x8xi1>
    %ne3A_413 = vector.broadcast %ne3A_412 : vector<512x8xi1> to vector<512x8xi1>
    %ne3A_414 = arith.xori %lt3A_409, %ne3A_413 : vector<512x8xi1>
    %and3A_415 = arith.andi %ne3A_414, %ne3A_406 : vector<512x8xi1>
    %add3A_416 = vector.broadcast %select_n3A_401 : i32 to vector<512x8xi32>
    %add3A_417 = arith.addi %rem3A_403, %add3A_416 : vector<512x8xi32>
    %select_n3A_418 = arith.select %and3A_415, %add3A_417, %rem3A_403 : vector<512x8xi1>, vector<512x8xi32>
    %mul3A_419 = arith.constant 64 : i32
    %mul3A_420 = vector.broadcast %mul3A_419 : i32 to vector<512x8xi32>
    %mul3A_421 = arith.muli %select_n3A_111, %mul3A_420 : vector<512x8xi32>
    %add3A_422 = arith.addi %mul3A_421, %select_n3A_136 : vector<512x8xi32>
    %mul3A_423 = arith.constant 64 : i32
    %mul3A_424 = vector.broadcast %mul3A_423 : i32 to vector<512x8xi32>
    %mul3A_425 = arith.muli %select_n3A_161, %mul3A_424 : vector<512x8xi32>
    %add3A_426 = arith.addi %mul3A_425, %select_n3A_186 : vector<512x8xi32>
    %mul3A_427 = arith.constant 64 : i32
    %mul3A_428 = vector.broadcast %mul3A_427 : i32 to vector<512x8xi32>
    %mul3A_429 = arith.muli %select_n3A_211, %mul3A_428 : vector<512x8xi32>
    %add3A_430 = arith.addi %mul3A_429, %select_n3A_236 : vector<512x8xi32>
    %mul3A_431 = arith.constant 64 : i32
    %mul3A_432 = vector.broadcast %mul3A_431 : i32 to vector<512x8xi32>
    %mul3A_433 = arith.muli %select_n3A_261, %mul3A_432 : vector<512x8xi32>
    %add3A_434 = arith.addi %mul3A_433, %select_n3A_286 : vector<512x8xi32>
    %mul3A_435 = arith.constant 64 : i32
    %mul3A_436 = vector.broadcast %mul3A_435 : i32 to vector<512x8xi32>
    %mul3A_437 = arith.muli %get3A_291, %mul3A_436 : vector<512x8xi32>
    %add3A_438 = arith.addi %mul3A_437, %get3A_296 : vector<512x8xi32>
    %mul3A_439 = arith.constant 64 : i32
    %mul3A_440 = vector.broadcast %mul3A_439 : i32 to vector<512x8xi32>
    %mul3A_441 = arith.muli %get3A_301, %mul3A_440 : vector<512x8xi32>
    %add3A_442 = arith.addi %mul3A_441, %get3A_306 : vector<512x8xi32>
    %mul3A_443 = arith.constant 64 : i32
    %mul3A_444 = vector.broadcast %mul3A_443 : i32 to vector<512x8xi32>
    %mul3A_445 = arith.muli %select_n3A_334, %mul3A_444 : vector<512x8xi32>
    %add3A_446 = arith.addi %mul3A_445, %select_n3A_362 : vector<512x8xi32>
    %mul3A_447 = arith.constant 64 : i32
    %mul3A_448 = vector.broadcast %mul3A_447 : i32 to vector<512x8xi32>
    %mul3A_449 = arith.muli %select_n3A_390, %mul3A_448 : vector<512x8xi32>
    %add3A_450 = arith.addi %mul3A_449, %select_n3A_418 : vector<512x8xi32>
    %convert_element_type3A_451 = arith.sitofp %select_n3A_111 : vector<512x8xi32> to vector<512x8xf32>
    %sub3A_452 = arith.subf %convert_element_type3A_451, %select_n3A : vector<512x8xf32>
    %div3A = arith.divf %sub3A_452, %mul3A_85 : vector<512x8xf32>
    %convert_element_type3A_453 = arith.sitofp %select_n3A_136 : vector<512x8xi32> to vector<512x8xf32>
    %sub3A_454 = arith.subf %convert_element_type3A_453, %select_n3A_64 : vector<512x8xf32>
    %div3A_455 = arith.divf %sub3A_454, %mul3A_85 : vector<512x8xf32>
    %mul3A_456 = arith.mulf %div3A, %div3A : vector<512x8xf32>
    %mul3A_457 = arith.mulf %div3A_455, %div3A_455 : vector<512x8xf32>
    %add3A_458 = arith.addf %mul3A_456, %mul3A_457 : vector<512x8xf32>
    %mul3A_459 = arith.constant -5.000000e-01 : f32
    %mul3A_460 = vector.broadcast %mul3A_459 : f32 to vector<512x8xf32>
    %mul3A_461 = arith.mulf %mul3A_460, %add3A_458 : vector<512x8xf32>
    %exp3A_462 = math.exp %mul3A_461 : vector<512x8xf32>
    %convert_element_type3A_463 = arith.sitofp %select_n3A_161 : vector<512x8xi32> to vector<512x8xf32>
    %sub3A_464 = arith.subf %convert_element_type3A_463, %select_n3A : vector<512x8xf32>
    %div3A_465 = arith.divf %sub3A_464, %mul3A_85 : vector<512x8xf32>
    %convert_element_type3A_466 = arith.sitofp %select_n3A_186 : vector<512x8xi32> to vector<512x8xf32>
    %sub3A_467 = arith.subf %convert_element_type3A_466, %select_n3A_64 : vector<512x8xf32>
    %div3A_468 = arith.divf %sub3A_467, %mul3A_85 : vector<512x8xf32>
    %mul3A_469 = arith.mulf %div3A_465, %div3A_465 : vector<512x8xf32>
    %mul3A_470 = arith.mulf %div3A_468, %div3A_468 : vector<512x8xf32>
    %add3A_471 = arith.addf %mul3A_469, %mul3A_470 : vector<512x8xf32>
    %mul3A_472 = arith.constant -5.000000e-01 : f32
    %mul3A_473 = vector.broadcast %mul3A_472 : f32 to vector<512x8xf32>
    %mul3A_474 = arith.mulf %mul3A_473, %add3A_471 : vector<512x8xf32>
    %exp3A_475 = math.exp %mul3A_474 : vector<512x8xf32>
    %eq3A_476 = arith.cmpi eq, %add3A_422, %add3A_426 : vector<512x8xi32>
    %jit3A_477 = arith.constant 0.000000e+00 : f32
    %broadcast_in_dim3A = vector.broadcast %jit3A_477 : f32 to vector<512x8xf32>
    %select_n3A_478 = arith.select %eq3A_476, %broadcast_in_dim3A, %exp3A_475 : vector<512x8xi1>, vector<512x8xf32>
    %convert_element_type3A_479 = arith.sitofp %select_n3A_211 : vector<512x8xi32> to vector<512x8xf32>
    %sub3A_480 = arith.subf %convert_element_type3A_479, %select_n3A : vector<512x8xf32>
    %div3A_481 = arith.divf %sub3A_480, %mul3A_85 : vector<512x8xf32>
    %convert_element_type3A_482 = arith.sitofp %select_n3A_236 : vector<512x8xi32> to vector<512x8xf32>
    %sub3A_483 = arith.subf %convert_element_type3A_482, %select_n3A_64 : vector<512x8xf32>
    %div3A_484 = arith.divf %sub3A_483, %mul3A_85 : vector<512x8xf32>
    %mul3A_485 = arith.mulf %div3A_481, %div3A_481 : vector<512x8xf32>
    %mul3A_486 = arith.mulf %div3A_484, %div3A_484 : vector<512x8xf32>
    %add3A_487 = arith.addf %mul3A_485, %mul3A_486 : vector<512x8xf32>
    %mul3A_488 = arith.constant -5.000000e-01 : f32
    %mul3A_489 = vector.broadcast %mul3A_488 : f32 to vector<512x8xf32>
    %mul3A_490 = arith.mulf %mul3A_489, %add3A_487 : vector<512x8xf32>
    %exp3A_491 = math.exp %mul3A_490 : vector<512x8xf32>
    %eq3A_492 = arith.cmpi eq, %add3A_422, %add3A_430 : vector<512x8xi32>
    %eq3A_493 = arith.cmpi eq, %add3A_426, %add3A_430 : vector<512x8xi32>
    %or3A = arith.ori %eq3A_492, %eq3A_493 : vector<512x8xi1>
    %jit3A_494 = arith.constant 0.000000e+00 : f32
    %broadcast_in_dim3A_495 = vector.broadcast %jit3A_494 : f32 to vector<512x8xf32>
    %select_n3A_496 = arith.select %or3A, %broadcast_in_dim3A_495, %exp3A_491 : vector<512x8xi1>, vector<512x8xf32>
    %convert_element_type3A_497 = arith.sitofp %select_n3A_261 : vector<512x8xi32> to vector<512x8xf32>
    %sub3A_498 = arith.subf %convert_element_type3A_497, %select_n3A : vector<512x8xf32>
    %div3A_499 = arith.divf %sub3A_498, %mul3A_85 : vector<512x8xf32>
    %convert_element_type3A_500 = arith.sitofp %select_n3A_286 : vector<512x8xi32> to vector<512x8xf32>
    %sub3A_501 = arith.subf %convert_element_type3A_500, %select_n3A_64 : vector<512x8xf32>
    %div3A_502 = arith.divf %sub3A_501, %mul3A_85 : vector<512x8xf32>
    %mul3A_503 = arith.mulf %div3A_499, %div3A_499 : vector<512x8xf32>
    %mul3A_504 = arith.mulf %div3A_502, %div3A_502 : vector<512x8xf32>
    %add3A_505 = arith.addf %mul3A_503, %mul3A_504 : vector<512x8xf32>
    %mul3A_506 = arith.constant -5.000000e-01 : f32
    %mul3A_507 = vector.broadcast %mul3A_506 : f32 to vector<512x8xf32>
    %mul3A_508 = arith.mulf %mul3A_507, %add3A_505 : vector<512x8xf32>
    %exp3A_509 = math.exp %mul3A_508 : vector<512x8xf32>
    %eq3A_510 = arith.cmpi eq, %add3A_422, %add3A_434 : vector<512x8xi32>
    %eq3A_511 = arith.cmpi eq, %add3A_426, %add3A_434 : vector<512x8xi32>
    %or3A_512 = arith.ori %eq3A_510, %eq3A_511 : vector<512x8xi1>
    %eq3A_513 = arith.cmpi eq, %add3A_430, %add3A_434 : vector<512x8xi32>
    %or3A_514 = arith.ori %or3A_512, %eq3A_513 : vector<512x8xi1>
    %jit3A_515 = arith.constant 0.000000e+00 : f32
    %broadcast_in_dim3A_516 = vector.broadcast %jit3A_515 : f32 to vector<512x8xf32>
    %select_n3A_517 = arith.select %or3A_514, %broadcast_in_dim3A_516, %exp3A_509 : vector<512x8xi1>, vector<512x8xf32>
    %convert_element_type3A_518 = arith.sitofp %get3A_291 : vector<512x8xi32> to vector<512x8xf32>
    %sub3A_519 = arith.subf %convert_element_type3A_518, %select_n3A : vector<512x8xf32>
    %div3A_520 = arith.divf %sub3A_519, %mul3A_85 : vector<512x8xf32>
    %convert_element_type3A_521 = arith.sitofp %get3A_296 : vector<512x8xi32> to vector<512x8xf32>
    %sub3A_522 = arith.subf %convert_element_type3A_521, %select_n3A_64 : vector<512x8xf32>
    %div3A_523 = arith.divf %sub3A_522, %mul3A_85 : vector<512x8xf32>
    %mul3A_524 = arith.mulf %div3A_520, %div3A_520 : vector<512x8xf32>
    %mul3A_525 = arith.mulf %div3A_523, %div3A_523 : vector<512x8xf32>
    %add3A_526 = arith.addf %mul3A_524, %mul3A_525 : vector<512x8xf32>
    %mul3A_527 = arith.constant -5.000000e-01 : f32
    %mul3A_528 = vector.broadcast %mul3A_527 : f32 to vector<512x8xf32>
    %mul3A_529 = arith.mulf %mul3A_528, %add3A_526 : vector<512x8xf32>
    %exp3A_530 = math.exp %mul3A_529 : vector<512x8xf32>
    %eq3A_531 = arith.cmpi eq, %add3A_422, %add3A_438 : vector<512x8xi32>
    %eq3A_532 = arith.cmpi eq, %add3A_426, %add3A_438 : vector<512x8xi32>
    %or3A_533 = arith.ori %eq3A_531, %eq3A_532 : vector<512x8xi1>
    %eq3A_534 = arith.cmpi eq, %add3A_430, %add3A_438 : vector<512x8xi32>
    %or3A_535 = arith.ori %or3A_533, %eq3A_534 : vector<512x8xi1>
    %eq3A_536 = arith.cmpi eq, %add3A_434, %add3A_438 : vector<512x8xi32>
    %or3A_537 = arith.ori %or3A_535, %eq3A_536 : vector<512x8xi1>
    %jit3A_538 = arith.constant 0.000000e+00 : f32
    %broadcast_in_dim3A_539 = vector.broadcast %jit3A_538 : f32 to vector<512x8xf32>
    %select_n3A_540 = arith.select %or3A_537, %broadcast_in_dim3A_539, %exp3A_530 : vector<512x8xi1>, vector<512x8xf32>
    %convert_element_type3A_541 = arith.sitofp %get3A_301 : vector<512x8xi32> to vector<512x8xf32>
    %sub3A_542 = arith.subf %convert_element_type3A_541, %select_n3A : vector<512x8xf32>
    %div3A_543 = arith.divf %sub3A_542, %mul3A_85 : vector<512x8xf32>
    %convert_element_type3A_544 = arith.sitofp %get3A_306 : vector<512x8xi32> to vector<512x8xf32>
    %sub3A_545 = arith.subf %convert_element_type3A_544, %select_n3A_64 : vector<512x8xf32>
    %div3A_546 = arith.divf %sub3A_545, %mul3A_85 : vector<512x8xf32>
    %mul3A_547 = arith.mulf %div3A_543, %div3A_543 : vector<512x8xf32>
    %mul3A_548 = arith.mulf %div3A_546, %div3A_546 : vector<512x8xf32>
    %add3A_549 = arith.addf %mul3A_547, %mul3A_548 : vector<512x8xf32>
    %mul3A_550 = arith.constant -5.000000e-01 : f32
    %mul3A_551 = vector.broadcast %mul3A_550 : f32 to vector<512x8xf32>
    %mul3A_552 = arith.mulf %mul3A_551, %add3A_549 : vector<512x8xf32>
    %exp3A_553 = math.exp %mul3A_552 : vector<512x8xf32>
    %eq3A_554 = arith.cmpi eq, %add3A_422, %add3A_442 : vector<512x8xi32>
    %eq3A_555 = arith.cmpi eq, %add3A_426, %add3A_442 : vector<512x8xi32>
    %or3A_556 = arith.ori %eq3A_554, %eq3A_555 : vector<512x8xi1>
    %eq3A_557 = arith.cmpi eq, %add3A_430, %add3A_442 : vector<512x8xi32>
    %or3A_558 = arith.ori %or3A_556, %eq3A_557 : vector<512x8xi1>
    %eq3A_559 = arith.cmpi eq, %add3A_434, %add3A_442 : vector<512x8xi32>
    %or3A_560 = arith.ori %or3A_558, %eq3A_559 : vector<512x8xi1>
    %eq3A_561 = arith.cmpi eq, %add3A_438, %add3A_442 : vector<512x8xi32>
    %or3A_562 = arith.ori %or3A_560, %eq3A_561 : vector<512x8xi1>
    %jit3A_563 = arith.constant 0.000000e+00 : f32
    %broadcast_in_dim3A_564 = vector.broadcast %jit3A_563 : f32 to vector<512x8xf32>
    %select_n3A_565 = arith.select %or3A_562, %broadcast_in_dim3A_564, %exp3A_553 : vector<512x8xi1>, vector<512x8xf32>
    %convert_element_type3A_566 = arith.sitofp %select_n3A_334 : vector<512x8xi32> to vector<512x8xf32>
    %sub3A_567 = arith.subf %convert_element_type3A_566, %select_n3A : vector<512x8xf32>
    %div3A_568 = arith.divf %sub3A_567, %mul3A_85 : vector<512x8xf32>
    %convert_element_type3A_569 = arith.sitofp %select_n3A_362 : vector<512x8xi32> to vector<512x8xf32>
    %sub3A_570 = arith.subf %convert_element_type3A_569, %select_n3A_64 : vector<512x8xf32>
    %div3A_571 = arith.divf %sub3A_570, %mul3A_85 : vector<512x8xf32>
    %mul3A_572 = arith.mulf %div3A_568, %div3A_568 : vector<512x8xf32>
    %mul3A_573 = arith.mulf %div3A_571, %div3A_571 : vector<512x8xf32>
    %add3A_574 = arith.addf %mul3A_572, %mul3A_573 : vector<512x8xf32>
    %mul3A_575 = arith.constant -5.000000e-01 : f32
    %mul3A_576 = vector.broadcast %mul3A_575 : f32 to vector<512x8xf32>
    %mul3A_577 = arith.mulf %mul3A_576, %add3A_574 : vector<512x8xf32>
    %exp3A_578 = math.exp %mul3A_577 : vector<512x8xf32>
    %eq3A_579 = arith.cmpi eq, %add3A_422, %add3A_446 : vector<512x8xi32>
    %eq3A_580 = arith.cmpi eq, %add3A_426, %add3A_446 : vector<512x8xi32>
    %or3A_581 = arith.ori %eq3A_579, %eq3A_580 : vector<512x8xi1>
    %eq3A_582 = arith.cmpi eq, %add3A_430, %add3A_446 : vector<512x8xi32>
    %or3A_583 = arith.ori %or3A_581, %eq3A_582 : vector<512x8xi1>
    %eq3A_584 = arith.cmpi eq, %add3A_434, %add3A_446 : vector<512x8xi32>
    %or3A_585 = arith.ori %or3A_583, %eq3A_584 : vector<512x8xi1>
    %eq3A_586 = arith.cmpi eq, %add3A_438, %add3A_446 : vector<512x8xi32>
    %or3A_587 = arith.ori %or3A_585, %eq3A_586 : vector<512x8xi1>
    %eq3A_588 = arith.cmpi eq, %add3A_442, %add3A_446 : vector<512x8xi32>
    %or3A_589 = arith.ori %or3A_587, %eq3A_588 : vector<512x8xi1>
    %jit3A_590 = arith.constant 0.000000e+00 : f32
    %broadcast_in_dim3A_591 = vector.broadcast %jit3A_590 : f32 to vector<512x8xf32>
    %select_n3A_592 = arith.select %or3A_589, %broadcast_in_dim3A_591, %exp3A_578 : vector<512x8xi1>, vector<512x8xf32>
    %convert_element_type3A_593 = arith.sitofp %select_n3A_390 : vector<512x8xi32> to vector<512x8xf32>
    %sub3A_594 = arith.subf %convert_element_type3A_593, %select_n3A : vector<512x8xf32>
    %div3A_595 = arith.divf %sub3A_594, %mul3A_85 : vector<512x8xf32>
    %convert_element_type3A_596 = arith.sitofp %select_n3A_418 : vector<512x8xi32> to vector<512x8xf32>
    %sub3A_597 = arith.subf %convert_element_type3A_596, %select_n3A_64 : vector<512x8xf32>
    %div3A_598 = arith.divf %sub3A_597, %mul3A_85 : vector<512x8xf32>
    %mul3A_599 = arith.mulf %div3A_595, %div3A_595 : vector<512x8xf32>
    %mul3A_600 = arith.mulf %div3A_598, %div3A_598 : vector<512x8xf32>
    %add3A_601 = arith.addf %mul3A_599, %mul3A_600 : vector<512x8xf32>
    %mul3A_602 = arith.constant -5.000000e-01 : f32
    %mul3A_603 = vector.broadcast %mul3A_602 : f32 to vector<512x8xf32>
    %mul3A_604 = arith.mulf %mul3A_603, %add3A_601 : vector<512x8xf32>
    %exp3A_605 = math.exp %mul3A_604 : vector<512x8xf32>
    %eq3A_606 = arith.cmpi eq, %add3A_422, %add3A_450 : vector<512x8xi32>
    %eq3A_607 = arith.cmpi eq, %add3A_426, %add3A_450 : vector<512x8xi32>
    %or3A_608 = arith.ori %eq3A_606, %eq3A_607 : vector<512x8xi1>
    %eq3A_609 = arith.cmpi eq, %add3A_430, %add3A_450 : vector<512x8xi32>
    %or3A_610 = arith.ori %or3A_608, %eq3A_609 : vector<512x8xi1>
    %eq3A_611 = arith.cmpi eq, %add3A_434, %add3A_450 : vector<512x8xi32>
    %or3A_612 = arith.ori %or3A_610, %eq3A_611 : vector<512x8xi1>
    %eq3A_613 = arith.cmpi eq, %add3A_438, %add3A_450 : vector<512x8xi32>
    %or3A_614 = arith.ori %or3A_612, %eq3A_613 : vector<512x8xi1>
    %eq3A_615 = arith.cmpi eq, %add3A_442, %add3A_450 : vector<512x8xi32>
    %or3A_616 = arith.ori %or3A_614, %eq3A_615 : vector<512x8xi1>
    %eq3A_617 = arith.cmpi eq, %add3A_446, %add3A_450 : vector<512x8xi32>
    %or3A_618 = arith.ori %or3A_616, %eq3A_617 : vector<512x8xi1>
    %jit3A_619 = arith.constant 0.000000e+00 : f32
    %broadcast_in_dim3A_620 = vector.broadcast %jit3A_619 : f32 to vector<512x8xf32>
    %select_n3A_621 = arith.select %or3A_618, %broadcast_in_dim3A_620, %exp3A_605 : vector<512x8xi1>, vector<512x8xf32>
    %add3A_622 = arith.addf %exp3A_462, %select_n3A_478 : vector<512x8xf32>
    %add3A_623 = arith.addf %add3A_622, %select_n3A_496 : vector<512x8xf32>
    %add3A_624 = arith.addf %add3A_623, %select_n3A_517 : vector<512x8xf32>
    %add3A_625 = arith.addf %add3A_624, %select_n3A_540 : vector<512x8xf32>
    %add3A_626 = arith.addf %add3A_625, %select_n3A_565 : vector<512x8xf32>
    %add3A_627 = arith.addf %add3A_626, %select_n3A_592 : vector<512x8xf32>
    %add3A_628 = arith.addf %add3A_627, %select_n3A_621 : vector<512x8xf32>
    %mul3A_629 = arith.constant 4096 : i32
    %mul3A_630 = arith.muli %arg0, %mul3A_629 : i32
    %add3A_631 = vector.broadcast %mul3A_630 : i32 to vector<512x8xi32>
    %add3A_632 = arith.addi %add3A_422, %add3A_631 : vector<512x8xi32>
    %add3A_633 = vector.broadcast %mul3A_630 : i32 to vector<512x8xi32>
    %add3A_634 = arith.addi %add3A_426, %add3A_633 : vector<512x8xi32>
    %add3A_635 = vector.broadcast %mul3A_630 : i32 to vector<512x8xi32>
    %add3A_636 = arith.addi %add3A_430, %add3A_635 : vector<512x8xi32>
    %add3A_637 = vector.broadcast %mul3A_630 : i32 to vector<512x8xi32>
    %add3A_638 = arith.addi %add3A_434, %add3A_637 : vector<512x8xi32>
    %add3A_639 = vector.broadcast %mul3A_630 : i32 to vector<512x8xi32>
    %add3A_640 = arith.addi %add3A_438, %add3A_639 : vector<512x8xi32>
    %add3A_641 = vector.broadcast %mul3A_630 : i32 to vector<512x8xi32>
    %add3A_642 = arith.addi %add3A_442, %add3A_641 : vector<512x8xi32>
    %add3A_643 = vector.broadcast %mul3A_630 : i32 to vector<512x8xi32>
    %add3A_644 = arith.addi %add3A_446, %add3A_643 : vector<512x8xi32>
    %add3A_645 = vector.broadcast %mul3A_630 : i32 to vector<512x8xi32>
    %add3A_646 = arith.addi %add3A_450, %add3A_645 : vector<512x8xi32>
    %concatenate3A = tpu.concatenate %add3A_632, %add3A_634, %add3A_636, %add3A_638, %add3A_640, %add3A_642, %add3A_644, %add3A_646 in 1 : vector<512x8xi32>, vector<512x8xi32>, vector<512x8xi32>, vector<512x8xi32>, vector<512x8xi32>, vector<512x8xi32>, vector<512x8xi32>, vector<512x8xi32> -> vector<512x64xi32>
    %swap3A = arith.constant 0 : index
    %swap3A_647 = arith.constant 0 : index
    %swap3A_648 = arith.constant 0 : index
    %swap3A_649 = vector.load %arg16[%swap3A, %swap3A_647, %swap3A_648] : memref<1x512x64xi32, #tpu.memory_space<vmem>>, vector<1x512x64xi32>
    %swap3A_650 = vector.shape_cast %swap3A_649 : vector<1x512x64xi32> to vector<512x64xi32>
    %swap3A_651 = vector.shape_cast %concatenate3A : vector<512x64xi32> to vector<1x512x64xi32>
    tpu.vector_store %arg16[%swap3A, %swap3A_647, %swap3A_648], %swap3A_651 {strides = array<i32>} : memref<1x512x64xi32, #tpu.memory_space<vmem>>, vector<1x512x64xi32>,
    %div3A_652 = arith.divf %exp3A_462, %add3A_628 : vector<512x8xf32>
    %div3A_653 = arith.divf %select_n3A_478, %add3A_628 : vector<512x8xf32>
    %div3A_654 = arith.divf %select_n3A_496, %add3A_628 : vector<512x8xf32>
    %div3A_655 = arith.divf %select_n3A_517, %add3A_628 : vector<512x8xf32>
    %div3A_656 = arith.divf %select_n3A_540, %add3A_628 : vector<512x8xf32>
    %div3A_657 = arith.divf %select_n3A_565, %add3A_628 : vector<512x8xf32>
    %div3A_658 = arith.divf %select_n3A_592, %add3A_628 : vector<512x8xf32>
    %div3A_659 = arith.divf %select_n3A_621, %add3A_628 : vector<512x8xf32>
    %concatenate3A_660 = tpu.concatenate %div3A_652, %div3A_653, %div3A_654, %div3A_655, %div3A_656, %div3A_657, %div3A_658, %div3A_659 in 1 : vector<512x8xf32>, vector<512x8xf32>, vector<512x8xf32>, vector<512x8xf32>, vector<512x8xf32>, vector<512x8xf32>, vector<512x8xf32>, vector<512x8xf32> -> vector<512x64xf32>
    %swap3A_661 = arith.constant 0 : index
    %swap3A_662 = arith.constant 0 : index
    %swap3A_663 = arith.constant 0 : index
    %swap3A_664 = vector.load %arg17[%swap3A_661, %swap3A_662, %swap3A_663] : memref<1x512x64xf32, #tpu.memory_space<vmem>>, vector<1x512x64xf32>
    %swap3A_665 = vector.shape_cast %swap3A_664 : vector<1x512x64xf32> to vector<512x64xf32>
    %swap3A_666 = vector.shape_cast %concatenate3A_660 : vector<512x64xf32> to vector<1x512x64xf32>
    tpu.vector_store %arg17[%swap3A_661, %swap3A_662, %swap3A_663], %swap3A_666 {strides = array<i32>} : memref<1x512x64xf32, #tpu.memory_space<vmem>>, vector<1x512x64xf32>,
    return
  }
  func.func @transform_0(%arg0: i32, %arg1: i32) -> (i32, i32, i32) {
    %c0_i32 = arith.constant 0 : i32
    %c0_i32_0 = arith.constant 0 : i32
    return %arg0, %arg1, %c0_i32 : i32, i32, i32
  }
  func.func @transform_1(%arg0: i32, %arg1: i32) -> (i32, i32) {
    %c0_i32 = arith.constant 0 : i32
    %c0_i32_0 = arith.constant 0 : i32
    %c0_i32_1 = arith.constant 0 : i32
    return %c0_i32, %c0_i32_0 : i32, i32
  }
  func.func @transform_2(%arg0: i32, %arg1: i32) -> (i32, i32) {
    %c0_i32 = arith.constant 0 : i32
    %c0_i32_0 = arith.constant 0 : i32
    %c0_i32_1 = arith.constant 0 : i32
    return %c0_i32, %c0_i32_0 : i32, i32
  }
  func.func @transform_3(%arg0: i32, %arg1: i32) -> (i32, i32) {
    %c0_i32 = arith.constant 0 : i32
    %c0_i32_0 = arith.constant 0 : i32
    %c0_i32_1 = arith.constant 0 : i32
    return %c0_i32, %c0_i32_0 : i32, i32
  }
  func.func @transform_4(%arg0: i32, %arg1: i32) -> (i32, i32) {
    %c0_i32 = arith.constant 0 : i32
    %c0_i32_0 = arith.constant 0 : i32
    %c0_i32_1 = arith.constant 0 : i32
    return %c0_i32, %c0_i32_0 : i32, i32
  }
  func.func @transform_5(%arg0: i32, %arg1: i32) -> (i32, i32) {
    %c0_i32 = arith.constant 0 : i32
    %c0_i32_0 = arith.constant 0 : i32
    return %arg1, %c0_i32 : i32, i32
  }
  func.func @transform_6(%arg0: i32, %arg1: i32) -> (i32, i32, i32) {
    %c0_i32 = arith.constant 0 : i32
    %c0_i32_0 = arith.constant 0 : i32
    return %arg0, %arg1, %c0_i32 : i32, i32, i32
  }
  func.func @transform_7(%arg0: i32, %arg1: i32) -> (i32, i32, i32) {
    %c0_i32 = arith.constant 0 : i32
    %c0_i32_0 = arith.constant 0 : i32
    return %arg0, %arg1, %c0_i32 : i32, i32, i32
  }
  func.func @transform_8(%arg0: i32, %arg1: i32) -> (i32, i32, i32) {
    %c0_i32 = arith.constant 0 : i32
    %c0_i32_0 = arith.constant 0 : i32
    return %arg0, %arg1, %c0_i32 : i32, i32, i32
  }
  func.func @transform_9(%arg0: i32, %arg1: i32) -> (i32, i32, i32) {
    %c0_i32 = arith.constant 0 : i32
    %c0_i32_0 = arith.constant 0 : i32
    return %arg0, %arg1, %c0_i32 : i32, i32, i32
  }
  func.func @transform_10(%arg0: i32, %arg1: i32) -> (i32, i32, i32) {
    %c0_i32 = arith.constant 0 : i32
    %c0_i32_0 = arith.constant 0 : i32
    return %arg0, %arg1, %c0_i32 : i32, i32, i32
  }
  func.func @transform_11(%arg0: i32, %arg1: i32) -> (i32, i32, i32) {
    %c0_i32 = arith.constant 0 : i32
    %c0_i32_0 = arith.constant 0 : i32
    return %arg0, %arg1, %c0_i32 : i32, i32, i32
  }
  func.func @transform_12(%arg0: i32, %arg1: i32) -> (i32, i32, i32) {
    %c0_i32 = arith.constant 0 : i32
    %c0_i32_0 = arith.constant 0 : i32
    return %arg0, %arg1, %c0_i32 : i32, i32, i32
  }
  func.func @transform_13(%arg0: i32, %arg1: i32) -> (i32, i32, i32) {
    %c0_i32 = arith.constant 0 : i32
    %c0_i32_0 = arith.constant 0 : i32
    return %arg0, %arg1, %c0_i32 : i32, i32, i32
  }
  func.func @transform_14(%arg0: i32, %arg1: i32) -> (i32, i32, i32) {
    %c0_i32 = arith.constant 0 : i32
    %c0_i32_0 = arith.constant 0 : i32
    return %arg0, %arg1, %c0_i32 : i32, i32, i32
  }
  func.func @transform_15(%arg0: i32, %arg1: i32) -> (i32, i32, i32) {
    %c0_i32 = arith.constant 0 : i32
    %c0_i32_0 = arith.constant 0 : i32
    return %arg0, %arg1, %c0_i32 : i32, i32, i32
  }
}

module attributes {stable_mosaic.version = 14 : i64} {
  func.func @_stage_c_body(%arg0: i32, %arg1: memref<256x2048xf32, #tpu.memory_space<vmem>>, %arg2: memref<256x64xf32, #tpu.memory_space<vmem>>, %arg3: memref<256x64xf32, #tpu.memory_space<vmem>>, %arg4: memref<1x64xf32, #tpu.memory_space<vmem>>, %arg5: memref<256x64xf32, #tpu.memory_space<vmem>>) attributes {dimension_semantics = [#tpu.dimension_semantics<arbitrary>], iteration_bounds = array<i64: 64>, scalar_prefetch = 0 : i64, scratch_operands = 0 : i64, tpu.core_type = #tpu.core_type<tc>, window_params = [{transform_indices = @transform_0, window_bounds = array<i64: 256, 2048>}, {transform_indices = @transform_1, window_bounds = array<i64: 256, 64>}, {pipeline_mode = #tpu.pipeline_mode<synchronous>, transform_indices = @transform_2, window_bounds = array<i64: 256, 64>}, {pipeline_mode = #tpu.pipeline_mode<synchronous>, transform_indices = @transform_3, window_bounds = array<i64: 1, 64>}, {transform_indices = @transform_4, window_bounds = array<i64: 256, 64>}]} {
    %get3A = arith.constant 0 : index
    %get3A_0 = arith.constant 0 : index
    %get3A_1 = vector.load %arg1[%get3A, %get3A_0] : memref<256x2048xf32, #tpu.memory_space<vmem>>, vector<256x2048xf32>
    %get3A_2 = arith.constant 0 : index
    %get3A_3 = arith.constant 0 : index
    %get3A_4 = vector.load %arg2[%get3A_2, %get3A_3] : memref<256x64xf32, #tpu.memory_space<vmem>>, vector<256x64xf32>
    %slice3A = vector.extract_strided_slice %get3A_1 {offsets = [0, 0], sizes = [256, 32], strides = [1, 1]} : vector<256x2048xf32> to vector<256x32xf32>
    %slice3A_5 = vector.extract_strided_slice %get3A_4 {offsets = [0, 0], sizes = [256, 1], strides = [1, 1]} : vector<256x64xf32> to vector<256x1xf32>
    %mul3A = vector.broadcast %slice3A_5 : vector<256x1xf32> to vector<256x32xf32>
    %mul3A_6 = arith.mulf %slice3A, %mul3A : vector<256x32xf32>
    %slice3A_7 = vector.extract_strided_slice %get3A_1 {offsets = [0, 256], sizes = [256, 32], strides = [1, 1]} : vector<256x2048xf32> to vector<256x32xf32>
    %slice3A_8 = vector.extract_strided_slice %get3A_4 {offsets = [0, 8], sizes = [256, 1], strides = [1, 1]} : vector<256x64xf32> to vector<256x1xf32>
    %mul3A_9 = vector.broadcast %slice3A_8 : vector<256x1xf32> to vector<256x32xf32>
    %mul3A_10 = arith.mulf %slice3A_7, %mul3A_9 : vector<256x32xf32>
    %add3A = arith.addf %mul3A_6, %mul3A_10 : vector<256x32xf32>
    %slice3A_11 = vector.extract_strided_slice %get3A_1 {offsets = [0, 512], sizes = [256, 32], strides = [1, 1]} : vector<256x2048xf32> to vector<256x32xf32>
    %slice3A_12 = vector.extract_strided_slice %get3A_4 {offsets = [0, 16], sizes = [256, 1], strides = [1, 1]} : vector<256x64xf32> to vector<256x1xf32>
    %mul3A_13 = vector.broadcast %slice3A_12 : vector<256x1xf32> to vector<256x32xf32>
    %mul3A_14 = arith.mulf %slice3A_11, %mul3A_13 : vector<256x32xf32>
    %add3A_15 = arith.addf %add3A, %mul3A_14 : vector<256x32xf32>
    %slice3A_16 = vector.extract_strided_slice %get3A_1 {offsets = [0, 768], sizes = [256, 32], strides = [1, 1]} : vector<256x2048xf32> to vector<256x32xf32>
    %slice3A_17 = vector.extract_strided_slice %get3A_4 {offsets = [0, 24], sizes = [256, 1], strides = [1, 1]} : vector<256x64xf32> to vector<256x1xf32>
    %mul3A_18 = vector.broadcast %slice3A_17 : vector<256x1xf32> to vector<256x32xf32>
    %mul3A_19 = arith.mulf %slice3A_16, %mul3A_18 : vector<256x32xf32>
    %add3A_20 = arith.addf %add3A_15, %mul3A_19 : vector<256x32xf32>
    %slice3A_21 = vector.extract_strided_slice %get3A_1 {offsets = [0, 1024], sizes = [256, 32], strides = [1, 1]} : vector<256x2048xf32> to vector<256x32xf32>
    %slice3A_22 = vector.extract_strided_slice %get3A_4 {offsets = [0, 32], sizes = [256, 1], strides = [1, 1]} : vector<256x64xf32> to vector<256x1xf32>
    %mul3A_23 = vector.broadcast %slice3A_22 : vector<256x1xf32> to vector<256x32xf32>
    %mul3A_24 = arith.mulf %slice3A_21, %mul3A_23 : vector<256x32xf32>
    %add3A_25 = arith.addf %add3A_20, %mul3A_24 : vector<256x32xf32>
    %slice3A_26 = vector.extract_strided_slice %get3A_1 {offsets = [0, 1280], sizes = [256, 32], strides = [1, 1]} : vector<256x2048xf32> to vector<256x32xf32>
    %slice3A_27 = vector.extract_strided_slice %get3A_4 {offsets = [0, 40], sizes = [256, 1], strides = [1, 1]} : vector<256x64xf32> to vector<256x1xf32>
    %mul3A_28 = vector.broadcast %slice3A_27 : vector<256x1xf32> to vector<256x32xf32>
    %mul3A_29 = arith.mulf %slice3A_26, %mul3A_28 : vector<256x32xf32>
    %add3A_30 = arith.addf %add3A_25, %mul3A_29 : vector<256x32xf32>
    %slice3A_31 = vector.extract_strided_slice %get3A_1 {offsets = [0, 1536], sizes = [256, 32], strides = [1, 1]} : vector<256x2048xf32> to vector<256x32xf32>
    %slice3A_32 = vector.extract_strided_slice %get3A_4 {offsets = [0, 48], sizes = [256, 1], strides = [1, 1]} : vector<256x64xf32> to vector<256x1xf32>
    %mul3A_33 = vector.broadcast %slice3A_32 : vector<256x1xf32> to vector<256x32xf32>
    %mul3A_34 = arith.mulf %slice3A_31, %mul3A_33 : vector<256x32xf32>
    %add3A_35 = arith.addf %add3A_30, %mul3A_34 : vector<256x32xf32>
    %slice3A_36 = vector.extract_strided_slice %get3A_1 {offsets = [0, 1792], sizes = [256, 32], strides = [1, 1]} : vector<256x2048xf32> to vector<256x32xf32>
    %slice3A_37 = vector.extract_strided_slice %get3A_4 {offsets = [0, 56], sizes = [256, 1], strides = [1, 1]} : vector<256x64xf32> to vector<256x1xf32>
    %mul3A_38 = vector.broadcast %slice3A_37 : vector<256x1xf32> to vector<256x32xf32>
    %mul3A_39 = arith.mulf %slice3A_36, %mul3A_38 : vector<256x32xf32>
    %add3A_40 = arith.addf %add3A_35, %mul3A_39 : vector<256x32xf32>
    %slice3A_41 = vector.extract_strided_slice %get3A_1 {offsets = [0, 32], sizes = [256, 32], strides = [1, 1]} : vector<256x2048xf32> to vector<256x32xf32>
    %slice3A_42 = vector.extract_strided_slice %get3A_4 {offsets = [0, 1], sizes = [256, 1], strides = [1, 1]} : vector<256x64xf32> to vector<256x1xf32>
    %mul3A_43 = vector.broadcast %slice3A_42 : vector<256x1xf32> to vector<256x32xf32>
    %mul3A_44 = arith.mulf %slice3A_41, %mul3A_43 : vector<256x32xf32>
    %slice3A_45 = vector.extract_strided_slice %get3A_1 {offsets = [0, 288], sizes = [256, 32], strides = [1, 1]} : vector<256x2048xf32> to vector<256x32xf32>
    %slice3A_46 = vector.extract_strided_slice %get3A_4 {offsets = [0, 9], sizes = [256, 1], strides = [1, 1]} : vector<256x64xf32> to vector<256x1xf32>
    %mul3A_47 = vector.broadcast %slice3A_46 : vector<256x1xf32> to vector<256x32xf32>
    %mul3A_48 = arith.mulf %slice3A_45, %mul3A_47 : vector<256x32xf32>
    %add3A_49 = arith.addf %mul3A_44, %mul3A_48 : vector<256x32xf32>
    %slice3A_50 = vector.extract_strided_slice %get3A_1 {offsets = [0, 544], sizes = [256, 32], strides = [1, 1]} : vector<256x2048xf32> to vector<256x32xf32>
    %slice3A_51 = vector.extract_strided_slice %get3A_4 {offsets = [0, 17], sizes = [256, 1], strides = [1, 1]} : vector<256x64xf32> to vector<256x1xf32>
    %mul3A_52 = vector.broadcast %slice3A_51 : vector<256x1xf32> to vector<256x32xf32>
    %mul3A_53 = arith.mulf %slice3A_50, %mul3A_52 : vector<256x32xf32>
    %add3A_54 = arith.addf %add3A_49, %mul3A_53 : vector<256x32xf32>
    %slice3A_55 = vector.extract_strided_slice %get3A_1 {offsets = [0, 800], sizes = [256, 32], strides = [1, 1]} : vector<256x2048xf32> to vector<256x32xf32>
    %slice3A_56 = vector.extract_strided_slice %get3A_4 {offsets = [0, 25], sizes = [256, 1], strides = [1, 1]} : vector<256x64xf32> to vector<256x1xf32>
    %mul3A_57 = vector.broadcast %slice3A_56 : vector<256x1xf32> to vector<256x32xf32>
    %mul3A_58 = arith.mulf %slice3A_55, %mul3A_57 : vector<256x32xf32>
    %add3A_59 = arith.addf %add3A_54, %mul3A_58 : vector<256x32xf32>
    %slice3A_60 = vector.extract_strided_slice %get3A_1 {offsets = [0, 1056], sizes = [256, 32], strides = [1, 1]} : vector<256x2048xf32> to vector<256x32xf32>
    %slice3A_61 = vector.extract_strided_slice %get3A_4 {offsets = [0, 33], sizes = [256, 1], strides = [1, 1]} : vector<256x64xf32> to vector<256x1xf32>
    %mul3A_62 = vector.broadcast %slice3A_61 : vector<256x1xf32> to vector<256x32xf32>
    %mul3A_63 = arith.mulf %slice3A_60, %mul3A_62 : vector<256x32xf32>
    %add3A_64 = arith.addf %add3A_59, %mul3A_63 : vector<256x32xf32>
    %slice3A_65 = vector.extract_strided_slice %get3A_1 {offsets = [0, 1312], sizes = [256, 32], strides = [1, 1]} : vector<256x2048xf32> to vector<256x32xf32>
    %slice3A_66 = vector.extract_strided_slice %get3A_4 {offsets = [0, 41], sizes = [256, 1], strides = [1, 1]} : vector<256x64xf32> to vector<256x1xf32>
    %mul3A_67 = vector.broadcast %slice3A_66 : vector<256x1xf32> to vector<256x32xf32>
    %mul3A_68 = arith.mulf %slice3A_65, %mul3A_67 : vector<256x32xf32>
    %add3A_69 = arith.addf %add3A_64, %mul3A_68 : vector<256x32xf32>
    %slice3A_70 = vector.extract_strided_slice %get3A_1 {offsets = [0, 1568], sizes = [256, 32], strides = [1, 1]} : vector<256x2048xf32> to vector<256x32xf32>
    %slice3A_71 = vector.extract_strided_slice %get3A_4 {offsets = [0, 49], sizes = [256, 1], strides = [1, 1]} : vector<256x64xf32> to vector<256x1xf32>
    %mul3A_72 = vector.broadcast %slice3A_71 : vector<256x1xf32> to vector<256x32xf32>
    %mul3A_73 = arith.mulf %slice3A_70, %mul3A_72 : vector<256x32xf32>
    %add3A_74 = arith.addf %add3A_69, %mul3A_73 : vector<256x32xf32>
    %slice3A_75 = vector.extract_strided_slice %get3A_1 {offsets = [0, 1824], sizes = [256, 32], strides = [1, 1]} : vector<256x2048xf32> to vector<256x32xf32>
    %slice3A_76 = vector.extract_strided_slice %get3A_4 {offsets = [0, 57], sizes = [256, 1], strides = [1, 1]} : vector<256x64xf32> to vector<256x1xf32>
    %mul3A_77 = vector.broadcast %slice3A_76 : vector<256x1xf32> to vector<256x32xf32>
    %mul3A_78 = arith.mulf %slice3A_75, %mul3A_77 : vector<256x32xf32>
    %add3A_79 = arith.addf %add3A_74, %mul3A_78 : vector<256x32xf32>
    %slice3A_80 = vector.extract_strided_slice %get3A_1 {offsets = [0, 64], sizes = [256, 32], strides = [1, 1]} : vector<256x2048xf32> to vector<256x32xf32>
    %slice3A_81 = vector.extract_strided_slice %get3A_4 {offsets = [0, 2], sizes = [256, 1], strides = [1, 1]} : vector<256x64xf32> to vector<256x1xf32>
    %mul3A_82 = vector.broadcast %slice3A_81 : vector<256x1xf32> to vector<256x32xf32>
    %mul3A_83 = arith.mulf %slice3A_80, %mul3A_82 : vector<256x32xf32>
    %slice3A_84 = vector.extract_strided_slice %get3A_1 {offsets = [0, 320], sizes = [256, 32], strides = [1, 1]} : vector<256x2048xf32> to vector<256x32xf32>
    %slice3A_85 = vector.extract_strided_slice %get3A_4 {offsets = [0, 10], sizes = [256, 1], strides = [1, 1]} : vector<256x64xf32> to vector<256x1xf32>
    %mul3A_86 = vector.broadcast %slice3A_85 : vector<256x1xf32> to vector<256x32xf32>
    %mul3A_87 = arith.mulf %slice3A_84, %mul3A_86 : vector<256x32xf32>
    %add3A_88 = arith.addf %mul3A_83, %mul3A_87 : vector<256x32xf32>
    %slice3A_89 = vector.extract_strided_slice %get3A_1 {offsets = [0, 576], sizes = [256, 32], strides = [1, 1]} : vector<256x2048xf32> to vector<256x32xf32>
    %slice3A_90 = vector.extract_strided_slice %get3A_4 {offsets = [0, 18], sizes = [256, 1], strides = [1, 1]} : vector<256x64xf32> to vector<256x1xf32>
    %mul3A_91 = vector.broadcast %slice3A_90 : vector<256x1xf32> to vector<256x32xf32>
    %mul3A_92 = arith.mulf %slice3A_89, %mul3A_91 : vector<256x32xf32>
    %add3A_93 = arith.addf %add3A_88, %mul3A_92 : vector<256x32xf32>
    %slice3A_94 = vector.extract_strided_slice %get3A_1 {offsets = [0, 832], sizes = [256, 32], strides = [1, 1]} : vector<256x2048xf32> to vector<256x32xf32>
    %slice3A_95 = vector.extract_strided_slice %get3A_4 {offsets = [0, 26], sizes = [256, 1], strides = [1, 1]} : vector<256x64xf32> to vector<256x1xf32>
    %mul3A_96 = vector.broadcast %slice3A_95 : vector<256x1xf32> to vector<256x32xf32>
    %mul3A_97 = arith.mulf %slice3A_94, %mul3A_96 : vector<256x32xf32>
    %add3A_98 = arith.addf %add3A_93, %mul3A_97 : vector<256x32xf32>
    %slice3A_99 = vector.extract_strided_slice %get3A_1 {offsets = [0, 1088], sizes = [256, 32], strides = [1, 1]} : vector<256x2048xf32> to vector<256x32xf32>
    %slice3A_100 = vector.extract_strided_slice %get3A_4 {offsets = [0, 34], sizes = [256, 1], strides = [1, 1]} : vector<256x64xf32> to vector<256x1xf32>
    %mul3A_101 = vector.broadcast %slice3A_100 : vector<256x1xf32> to vector<256x32xf32>
    %mul3A_102 = arith.mulf %slice3A_99, %mul3A_101 : vector<256x32xf32>
    %add3A_103 = arith.addf %add3A_98, %mul3A_102 : vector<256x32xf32>
    %slice3A_104 = vector.extract_strided_slice %get3A_1 {offsets = [0, 1344], sizes = [256, 32], strides = [1, 1]} : vector<256x2048xf32> to vector<256x32xf32>
    %slice3A_105 = vector.extract_strided_slice %get3A_4 {offsets = [0, 42], sizes = [256, 1], strides = [1, 1]} : vector<256x64xf32> to vector<256x1xf32>
    %mul3A_106 = vector.broadcast %slice3A_105 : vector<256x1xf32> to vector<256x32xf32>
    %mul3A_107 = arith.mulf %slice3A_104, %mul3A_106 : vector<256x32xf32>
    %add3A_108 = arith.addf %add3A_103, %mul3A_107 : vector<256x32xf32>
    %slice3A_109 = vector.extract_strided_slice %get3A_1 {offsets = [0, 1600], sizes = [256, 32], strides = [1, 1]} : vector<256x2048xf32> to vector<256x32xf32>
    %slice3A_110 = vector.extract_strided_slice %get3A_4 {offsets = [0, 50], sizes = [256, 1], strides = [1, 1]} : vector<256x64xf32> to vector<256x1xf32>
    %mul3A_111 = vector.broadcast %slice3A_110 : vector<256x1xf32> to vector<256x32xf32>
    %mul3A_112 = arith.mulf %slice3A_109, %mul3A_111 : vector<256x32xf32>
    %add3A_113 = arith.addf %add3A_108, %mul3A_112 : vector<256x32xf32>
    %slice3A_114 = vector.extract_strided_slice %get3A_1 {offsets = [0, 1856], sizes = [256, 32], strides = [1, 1]} : vector<256x2048xf32> to vector<256x32xf32>
    %slice3A_115 = vector.extract_strided_slice %get3A_4 {offsets = [0, 58], sizes = [256, 1], strides = [1, 1]} : vector<256x64xf32> to vector<256x1xf32>
    %mul3A_116 = vector.broadcast %slice3A_115 : vector<256x1xf32> to vector<256x32xf32>
    %mul3A_117 = arith.mulf %slice3A_114, %mul3A_116 : vector<256x32xf32>
    %add3A_118 = arith.addf %add3A_113, %mul3A_117 : vector<256x32xf32>
    %slice3A_119 = vector.extract_strided_slice %get3A_1 {offsets = [0, 96], sizes = [256, 32], strides = [1, 1]} : vector<256x2048xf32> to vector<256x32xf32>
    %slice3A_120 = vector.extract_strided_slice %get3A_4 {offsets = [0, 3], sizes = [256, 1], strides = [1, 1]} : vector<256x64xf32> to vector<256x1xf32>
    %mul3A_121 = vector.broadcast %slice3A_120 : vector<256x1xf32> to vector<256x32xf32>
    %mul3A_122 = arith.mulf %slice3A_119, %mul3A_121 : vector<256x32xf32>
    %slice3A_123 = vector.extract_strided_slice %get3A_1 {offsets = [0, 352], sizes = [256, 32], strides = [1, 1]} : vector<256x2048xf32> to vector<256x32xf32>
    %slice3A_124 = vector.extract_strided_slice %get3A_4 {offsets = [0, 11], sizes = [256, 1], strides = [1, 1]} : vector<256x64xf32> to vector<256x1xf32>
    %mul3A_125 = vector.broadcast %slice3A_124 : vector<256x1xf32> to vector<256x32xf32>
    %mul3A_126 = arith.mulf %slice3A_123, %mul3A_125 : vector<256x32xf32>
    %add3A_127 = arith.addf %mul3A_122, %mul3A_126 : vector<256x32xf32>
    %slice3A_128 = vector.extract_strided_slice %get3A_1 {offsets = [0, 608], sizes = [256, 32], strides = [1, 1]} : vector<256x2048xf32> to vector<256x32xf32>
    %slice3A_129 = vector.extract_strided_slice %get3A_4 {offsets = [0, 19], sizes = [256, 1], strides = [1, 1]} : vector<256x64xf32> to vector<256x1xf32>
    %mul3A_130 = vector.broadcast %slice3A_129 : vector<256x1xf32> to vector<256x32xf32>
    %mul3A_131 = arith.mulf %slice3A_128, %mul3A_130 : vector<256x32xf32>
    %add3A_132 = arith.addf %add3A_127, %mul3A_131 : vector<256x32xf32>
    %slice3A_133 = vector.extract_strided_slice %get3A_1 {offsets = [0, 864], sizes = [256, 32], strides = [1, 1]} : vector<256x2048xf32> to vector<256x32xf32>
    %slice3A_134 = vector.extract_strided_slice %get3A_4 {offsets = [0, 27], sizes = [256, 1], strides = [1, 1]} : vector<256x64xf32> to vector<256x1xf32>
    %mul3A_135 = vector.broadcast %slice3A_134 : vector<256x1xf32> to vector<256x32xf32>
    %mul3A_136 = arith.mulf %slice3A_133, %mul3A_135 : vector<256x32xf32>
    %add3A_137 = arith.addf %add3A_132, %mul3A_136 : vector<256x32xf32>
    %slice3A_138 = vector.extract_strided_slice %get3A_1 {offsets = [0, 1120], sizes = [256, 32], strides = [1, 1]} : vector<256x2048xf32> to vector<256x32xf32>
    %slice3A_139 = vector.extract_strided_slice %get3A_4 {offsets = [0, 35], sizes = [256, 1], strides = [1, 1]} : vector<256x64xf32> to vector<256x1xf32>
    %mul3A_140 = vector.broadcast %slice3A_139 : vector<256x1xf32> to vector<256x32xf32>
    %mul3A_141 = arith.mulf %slice3A_138, %mul3A_140 : vector<256x32xf32>
    %add3A_142 = arith.addf %add3A_137, %mul3A_141 : vector<256x32xf32>
    %slice3A_143 = vector.extract_strided_slice %get3A_1 {offsets = [0, 1376], sizes = [256, 32], strides = [1, 1]} : vector<256x2048xf32> to vector<256x32xf32>
    %slice3A_144 = vector.extract_strided_slice %get3A_4 {offsets = [0, 43], sizes = [256, 1], strides = [1, 1]} : vector<256x64xf32> to vector<256x1xf32>
    %mul3A_145 = vector.broadcast %slice3A_144 : vector<256x1xf32> to vector<256x32xf32>
    %mul3A_146 = arith.mulf %slice3A_143, %mul3A_145 : vector<256x32xf32>
    %add3A_147 = arith.addf %add3A_142, %mul3A_146 : vector<256x32xf32>
    %slice3A_148 = vector.extract_strided_slice %get3A_1 {offsets = [0, 1632], sizes = [256, 32], strides = [1, 1]} : vector<256x2048xf32> to vector<256x32xf32>
    %slice3A_149 = vector.extract_strided_slice %get3A_4 {offsets = [0, 51], sizes = [256, 1], strides = [1, 1]} : vector<256x64xf32> to vector<256x1xf32>
    %mul3A_150 = vector.broadcast %slice3A_149 : vector<256x1xf32> to vector<256x32xf32>
    %mul3A_151 = arith.mulf %slice3A_148, %mul3A_150 : vector<256x32xf32>
    %add3A_152 = arith.addf %add3A_147, %mul3A_151 : vector<256x32xf32>
    %slice3A_153 = vector.extract_strided_slice %get3A_1 {offsets = [0, 1888], sizes = [256, 32], strides = [1, 1]} : vector<256x2048xf32> to vector<256x32xf32>
    %slice3A_154 = vector.extract_strided_slice %get3A_4 {offsets = [0, 59], sizes = [256, 1], strides = [1, 1]} : vector<256x64xf32> to vector<256x1xf32>
    %mul3A_155 = vector.broadcast %slice3A_154 : vector<256x1xf32> to vector<256x32xf32>
    %mul3A_156 = arith.mulf %slice3A_153, %mul3A_155 : vector<256x32xf32>
    %add3A_157 = arith.addf %add3A_152, %mul3A_156 : vector<256x32xf32>
    %slice3A_158 = vector.extract_strided_slice %get3A_1 {offsets = [0, 128], sizes = [256, 32], strides = [1, 1]} : vector<256x2048xf32> to vector<256x32xf32>
    %slice3A_159 = vector.extract_strided_slice %get3A_4 {offsets = [0, 4], sizes = [256, 1], strides = [1, 1]} : vector<256x64xf32> to vector<256x1xf32>
    %mul3A_160 = vector.broadcast %slice3A_159 : vector<256x1xf32> to vector<256x32xf32>
    %mul3A_161 = arith.mulf %slice3A_158, %mul3A_160 : vector<256x32xf32>
    %slice3A_162 = vector.extract_strided_slice %get3A_1 {offsets = [0, 384], sizes = [256, 32], strides = [1, 1]} : vector<256x2048xf32> to vector<256x32xf32>
    %slice3A_163 = vector.extract_strided_slice %get3A_4 {offsets = [0, 12], sizes = [256, 1], strides = [1, 1]} : vector<256x64xf32> to vector<256x1xf32>
    %mul3A_164 = vector.broadcast %slice3A_163 : vector<256x1xf32> to vector<256x32xf32>
    %mul3A_165 = arith.mulf %slice3A_162, %mul3A_164 : vector<256x32xf32>
    %add3A_166 = arith.addf %mul3A_161, %mul3A_165 : vector<256x32xf32>
    %slice3A_167 = vector.extract_strided_slice %get3A_1 {offsets = [0, 640], sizes = [256, 32], strides = [1, 1]} : vector<256x2048xf32> to vector<256x32xf32>
    %slice3A_168 = vector.extract_strided_slice %get3A_4 {offsets = [0, 20], sizes = [256, 1], strides = [1, 1]} : vector<256x64xf32> to vector<256x1xf32>
    %mul3A_169 = vector.broadcast %slice3A_168 : vector<256x1xf32> to vector<256x32xf32>
    %mul3A_170 = arith.mulf %slice3A_167, %mul3A_169 : vector<256x32xf32>
    %add3A_171 = arith.addf %add3A_166, %mul3A_170 : vector<256x32xf32>
    %slice3A_172 = vector.extract_strided_slice %get3A_1 {offsets = [0, 896], sizes = [256, 32], strides = [1, 1]} : vector<256x2048xf32> to vector<256x32xf32>
    %slice3A_173 = vector.extract_strided_slice %get3A_4 {offsets = [0, 28], sizes = [256, 1], strides = [1, 1]} : vector<256x64xf32> to vector<256x1xf32>
    %mul3A_174 = vector.broadcast %slice3A_173 : vector<256x1xf32> to vector<256x32xf32>
    %mul3A_175 = arith.mulf %slice3A_172, %mul3A_174 : vector<256x32xf32>
    %add3A_176 = arith.addf %add3A_171, %mul3A_175 : vector<256x32xf32>
    %slice3A_177 = vector.extract_strided_slice %get3A_1 {offsets = [0, 1152], sizes = [256, 32], strides = [1, 1]} : vector<256x2048xf32> to vector<256x32xf32>
    %slice3A_178 = vector.extract_strided_slice %get3A_4 {offsets = [0, 36], sizes = [256, 1], strides = [1, 1]} : vector<256x64xf32> to vector<256x1xf32>
    %mul3A_179 = vector.broadcast %slice3A_178 : vector<256x1xf32> to vector<256x32xf32>
    %mul3A_180 = arith.mulf %slice3A_177, %mul3A_179 : vector<256x32xf32>
    %add3A_181 = arith.addf %add3A_176, %mul3A_180 : vector<256x32xf32>
    %slice3A_182 = vector.extract_strided_slice %get3A_1 {offsets = [0, 1408], sizes = [256, 32], strides = [1, 1]} : vector<256x2048xf32> to vector<256x32xf32>
    %slice3A_183 = vector.extract_strided_slice %get3A_4 {offsets = [0, 44], sizes = [256, 1], strides = [1, 1]} : vector<256x64xf32> to vector<256x1xf32>
    %mul3A_184 = vector.broadcast %slice3A_183 : vector<256x1xf32> to vector<256x32xf32>
    %mul3A_185 = arith.mulf %slice3A_182, %mul3A_184 : vector<256x32xf32>
    %add3A_186 = arith.addf %add3A_181, %mul3A_185 : vector<256x32xf32>
    %slice3A_187 = vector.extract_strided_slice %get3A_1 {offsets = [0, 1664], sizes = [256, 32], strides = [1, 1]} : vector<256x2048xf32> to vector<256x32xf32>
    %slice3A_188 = vector.extract_strided_slice %get3A_4 {offsets = [0, 52], sizes = [256, 1], strides = [1, 1]} : vector<256x64xf32> to vector<256x1xf32>
    %mul3A_189 = vector.broadcast %slice3A_188 : vector<256x1xf32> to vector<256x32xf32>
    %mul3A_190 = arith.mulf %slice3A_187, %mul3A_189 : vector<256x32xf32>
    %add3A_191 = arith.addf %add3A_186, %mul3A_190 : vector<256x32xf32>
    %slice3A_192 = vector.extract_strided_slice %get3A_1 {offsets = [0, 1920], sizes = [256, 32], strides = [1, 1]} : vector<256x2048xf32> to vector<256x32xf32>
    %slice3A_193 = vector.extract_strided_slice %get3A_4 {offsets = [0, 60], sizes = [256, 1], strides = [1, 1]} : vector<256x64xf32> to vector<256x1xf32>
    %mul3A_194 = vector.broadcast %slice3A_193 : vector<256x1xf32> to vector<256x32xf32>
    %mul3A_195 = arith.mulf %slice3A_192, %mul3A_194 : vector<256x32xf32>
    %add3A_196 = arith.addf %add3A_191, %mul3A_195 : vector<256x32xf32>
    %slice3A_197 = vector.extract_strided_slice %get3A_1 {offsets = [0, 160], sizes = [256, 32], strides = [1, 1]} : vector<256x2048xf32> to vector<256x32xf32>
    %slice3A_198 = vector.extract_strided_slice %get3A_4 {offsets = [0, 5], sizes = [256, 1], strides = [1, 1]} : vector<256x64xf32> to vector<256x1xf32>
    %mul3A_199 = vector.broadcast %slice3A_198 : vector<256x1xf32> to vector<256x32xf32>
    %mul3A_200 = arith.mulf %slice3A_197, %mul3A_199 : vector<256x32xf32>
    %slice3A_201 = vector.extract_strided_slice %get3A_1 {offsets = [0, 416], sizes = [256, 32], strides = [1, 1]} : vector<256x2048xf32> to vector<256x32xf32>
    %slice3A_202 = vector.extract_strided_slice %get3A_4 {offsets = [0, 13], sizes = [256, 1], strides = [1, 1]} : vector<256x64xf32> to vector<256x1xf32>
    %mul3A_203 = vector.broadcast %slice3A_202 : vector<256x1xf32> to vector<256x32xf32>
    %mul3A_204 = arith.mulf %slice3A_201, %mul3A_203 : vector<256x32xf32>
    %add3A_205 = arith.addf %mul3A_200, %mul3A_204 : vector<256x32xf32>
    %slice3A_206 = vector.extract_strided_slice %get3A_1 {offsets = [0, 672], sizes = [256, 32], strides = [1, 1]} : vector<256x2048xf32> to vector<256x32xf32>
    %slice3A_207 = vector.extract_strided_slice %get3A_4 {offsets = [0, 21], sizes = [256, 1], strides = [1, 1]} : vector<256x64xf32> to vector<256x1xf32>
    %mul3A_208 = vector.broadcast %slice3A_207 : vector<256x1xf32> to vector<256x32xf32>
    %mul3A_209 = arith.mulf %slice3A_206, %mul3A_208 : vector<256x32xf32>
    %add3A_210 = arith.addf %add3A_205, %mul3A_209 : vector<256x32xf32>
    %slice3A_211 = vector.extract_strided_slice %get3A_1 {offsets = [0, 928], sizes = [256, 32], strides = [1, 1]} : vector<256x2048xf32> to vector<256x32xf32>
    %slice3A_212 = vector.extract_strided_slice %get3A_4 {offsets = [0, 29], sizes = [256, 1], strides = [1, 1]} : vector<256x64xf32> to vector<256x1xf32>
    %mul3A_213 = vector.broadcast %slice3A_212 : vector<256x1xf32> to vector<256x32xf32>
    %mul3A_214 = arith.mulf %slice3A_211, %mul3A_213 : vector<256x32xf32>
    %add3A_215 = arith.addf %add3A_210, %mul3A_214 : vector<256x32xf32>
    %slice3A_216 = vector.extract_strided_slice %get3A_1 {offsets = [0, 1184], sizes = [256, 32], strides = [1, 1]} : vector<256x2048xf32> to vector<256x32xf32>
    %slice3A_217 = vector.extract_strided_slice %get3A_4 {offsets = [0, 37], sizes = [256, 1], strides = [1, 1]} : vector<256x64xf32> to vector<256x1xf32>
    %mul3A_218 = vector.broadcast %slice3A_217 : vector<256x1xf32> to vector<256x32xf32>
    %mul3A_219 = arith.mulf %slice3A_216, %mul3A_218 : vector<256x32xf32>
    %add3A_220 = arith.addf %add3A_215, %mul3A_219 : vector<256x32xf32>
    %slice3A_221 = vector.extract_strided_slice %get3A_1 {offsets = [0, 1440], sizes = [256, 32], strides = [1, 1]} : vector<256x2048xf32> to vector<256x32xf32>
    %slice3A_222 = vector.extract_strided_slice %get3A_4 {offsets = [0, 45], sizes = [256, 1], strides = [1, 1]} : vector<256x64xf32> to vector<256x1xf32>
    %mul3A_223 = vector.broadcast %slice3A_222 : vector<256x1xf32> to vector<256x32xf32>
    %mul3A_224 = arith.mulf %slice3A_221, %mul3A_223 : vector<256x32xf32>
    %add3A_225 = arith.addf %add3A_220, %mul3A_224 : vector<256x32xf32>
    %slice3A_226 = vector.extract_strided_slice %get3A_1 {offsets = [0, 1696], sizes = [256, 32], strides = [1, 1]} : vector<256x2048xf32> to vector<256x32xf32>
    %slice3A_227 = vector.extract_strided_slice %get3A_4 {offsets = [0, 53], sizes = [256, 1], strides = [1, 1]} : vector<256x64xf32> to vector<256x1xf32>
    %mul3A_228 = vector.broadcast %slice3A_227 : vector<256x1xf32> to vector<256x32xf32>
    %mul3A_229 = arith.mulf %slice3A_226, %mul3A_228 : vector<256x32xf32>
    %add3A_230 = arith.addf %add3A_225, %mul3A_229 : vector<256x32xf32>
    %slice3A_231 = vector.extract_strided_slice %get3A_1 {offsets = [0, 1952], sizes = [256, 32], strides = [1, 1]} : vector<256x2048xf32> to vector<256x32xf32>
    %slice3A_232 = vector.extract_strided_slice %get3A_4 {offsets = [0, 61], sizes = [256, 1], strides = [1, 1]} : vector<256x64xf32> to vector<256x1xf32>
    %mul3A_233 = vector.broadcast %slice3A_232 : vector<256x1xf32> to vector<256x32xf32>
    %mul3A_234 = arith.mulf %slice3A_231, %mul3A_233 : vector<256x32xf32>
    %add3A_235 = arith.addf %add3A_230, %mul3A_234 : vector<256x32xf32>
    %slice3A_236 = vector.extract_strided_slice %get3A_1 {offsets = [0, 192], sizes = [256, 32], strides = [1, 1]} : vector<256x2048xf32> to vector<256x32xf32>
    %slice3A_237 = vector.extract_strided_slice %get3A_4 {offsets = [0, 6], sizes = [256, 1], strides = [1, 1]} : vector<256x64xf32> to vector<256x1xf32>
    %mul3A_238 = vector.broadcast %slice3A_237 : vector<256x1xf32> to vector<256x32xf32>
    %mul3A_239 = arith.mulf %slice3A_236, %mul3A_238 : vector<256x32xf32>
    %slice3A_240 = vector.extract_strided_slice %get3A_1 {offsets = [0, 448], sizes = [256, 32], strides = [1, 1]} : vector<256x2048xf32> to vector<256x32xf32>
    %slice3A_241 = vector.extract_strided_slice %get3A_4 {offsets = [0, 14], sizes = [256, 1], strides = [1, 1]} : vector<256x64xf32> to vector<256x1xf32>
    %mul3A_242 = vector.broadcast %slice3A_241 : vector<256x1xf32> to vector<256x32xf32>
    %mul3A_243 = arith.mulf %slice3A_240, %mul3A_242 : vector<256x32xf32>
    %add3A_244 = arith.addf %mul3A_239, %mul3A_243 : vector<256x32xf32>
    %slice3A_245 = vector.extract_strided_slice %get3A_1 {offsets = [0, 704], sizes = [256, 32], strides = [1, 1]} : vector<256x2048xf32> to vector<256x32xf32>
    %slice3A_246 = vector.extract_strided_slice %get3A_4 {offsets = [0, 22], sizes = [256, 1], strides = [1, 1]} : vector<256x64xf32> to vector<256x1xf32>
    %mul3A_247 = vector.broadcast %slice3A_246 : vector<256x1xf32> to vector<256x32xf32>
    %mul3A_248 = arith.mulf %slice3A_245, %mul3A_247 : vector<256x32xf32>
    %add3A_249 = arith.addf %add3A_244, %mul3A_248 : vector<256x32xf32>
    %slice3A_250 = vector.extract_strided_slice %get3A_1 {offsets = [0, 960], sizes = [256, 32], strides = [1, 1]} : vector<256x2048xf32> to vector<256x32xf32>
    %slice3A_251 = vector.extract_strided_slice %get3A_4 {offsets = [0, 30], sizes = [256, 1], strides = [1, 1]} : vector<256x64xf32> to vector<256x1xf32>
    %mul3A_252 = vector.broadcast %slice3A_251 : vector<256x1xf32> to vector<256x32xf32>
    %mul3A_253 = arith.mulf %slice3A_250, %mul3A_252 : vector<256x32xf32>
    %add3A_254 = arith.addf %add3A_249, %mul3A_253 : vector<256x32xf32>
    %slice3A_255 = vector.extract_strided_slice %get3A_1 {offsets = [0, 1216], sizes = [256, 32], strides = [1, 1]} : vector<256x2048xf32> to vector<256x32xf32>
    %slice3A_256 = vector.extract_strided_slice %get3A_4 {offsets = [0, 38], sizes = [256, 1], strides = [1, 1]} : vector<256x64xf32> to vector<256x1xf32>
    %mul3A_257 = vector.broadcast %slice3A_256 : vector<256x1xf32> to vector<256x32xf32>
    %mul3A_258 = arith.mulf %slice3A_255, %mul3A_257 : vector<256x32xf32>
    %add3A_259 = arith.addf %add3A_254, %mul3A_258 : vector<256x32xf32>
    %slice3A_260 = vector.extract_strided_slice %get3A_1 {offsets = [0, 1472], sizes = [256, 32], strides = [1, 1]} : vector<256x2048xf32> to vector<256x32xf32>
    %slice3A_261 = vector.extract_strided_slice %get3A_4 {offsets = [0, 46], sizes = [256, 1], strides = [1, 1]} : vector<256x64xf32> to vector<256x1xf32>
    %mul3A_262 = vector.broadcast %slice3A_261 : vector<256x1xf32> to vector<256x32xf32>
    %mul3A_263 = arith.mulf %slice3A_260, %mul3A_262 : vector<256x32xf32>
    %add3A_264 = arith.addf %add3A_259, %mul3A_263 : vector<256x32xf32>
    %slice3A_265 = vector.extract_strided_slice %get3A_1 {offsets = [0, 1728], sizes = [256, 32], strides = [1, 1]} : vector<256x2048xf32> to vector<256x32xf32>
    %slice3A_266 = vector.extract_strided_slice %get3A_4 {offsets = [0, 54], sizes = [256, 1], strides = [1, 1]} : vector<256x64xf32> to vector<256x1xf32>
    %mul3A_267 = vector.broadcast %slice3A_266 : vector<256x1xf32> to vector<256x32xf32>
    %mul3A_268 = arith.mulf %slice3A_265, %mul3A_267 : vector<256x32xf32>
    %add3A_269 = arith.addf %add3A_264, %mul3A_268 : vector<256x32xf32>
    %slice3A_270 = vector.extract_strided_slice %get3A_1 {offsets = [0, 1984], sizes = [256, 32], strides = [1, 1]} : vector<256x2048xf32> to vector<256x32xf32>
    %slice3A_271 = vector.extract_strided_slice %get3A_4 {offsets = [0, 62], sizes = [256, 1], strides = [1, 1]} : vector<256x64xf32> to vector<256x1xf32>
    %mul3A_272 = vector.broadcast %slice3A_271 : vector<256x1xf32> to vector<256x32xf32>
    %mul3A_273 = arith.mulf %slice3A_270, %mul3A_272 : vector<256x32xf32>
    %add3A_274 = arith.addf %add3A_269, %mul3A_273 : vector<256x32xf32>
    %slice3A_275 = vector.extract_strided_slice %get3A_1 {offsets = [0, 224], sizes = [256, 32], strides = [1, 1]} : vector<256x2048xf32> to vector<256x32xf32>
    %slice3A_276 = vector.extract_strided_slice %get3A_4 {offsets = [0, 7], sizes = [256, 1], strides = [1, 1]} : vector<256x64xf32> to vector<256x1xf32>
    %mul3A_277 = vector.broadcast %slice3A_276 : vector<256x1xf32> to vector<256x32xf32>
    %mul3A_278 = arith.mulf %slice3A_275, %mul3A_277 : vector<256x32xf32>
    %slice3A_279 = vector.extract_strided_slice %get3A_1 {offsets = [0, 480], sizes = [256, 32], strides = [1, 1]} : vector<256x2048xf32> to vector<256x32xf32>
    %slice3A_280 = vector.extract_strided_slice %get3A_4 {offsets = [0, 15], sizes = [256, 1], strides = [1, 1]} : vector<256x64xf32> to vector<256x1xf32>
    %mul3A_281 = vector.broadcast %slice3A_280 : vector<256x1xf32> to vector<256x32xf32>
    %mul3A_282 = arith.mulf %slice3A_279, %mul3A_281 : vector<256x32xf32>
    %add3A_283 = arith.addf %mul3A_278, %mul3A_282 : vector<256x32xf32>
    %slice3A_284 = vector.extract_strided_slice %get3A_1 {offsets = [0, 736], sizes = [256, 32], strides = [1, 1]} : vector<256x2048xf32> to vector<256x32xf32>
    %slice3A_285 = vector.extract_strided_slice %get3A_4 {offsets = [0, 23], sizes = [256, 1], strides = [1, 1]} : vector<256x64xf32> to vector<256x1xf32>
    %mul3A_286 = vector.broadcast %slice3A_285 : vector<256x1xf32> to vector<256x32xf32>
    %mul3A_287 = arith.mulf %slice3A_284, %mul3A_286 : vector<256x32xf32>
    %add3A_288 = arith.addf %add3A_283, %mul3A_287 : vector<256x32xf32>
    %slice3A_289 = vector.extract_strided_slice %get3A_1 {offsets = [0, 992], sizes = [256, 32], strides = [1, 1]} : vector<256x2048xf32> to vector<256x32xf32>
    %slice3A_290 = vector.extract_strided_slice %get3A_4 {offsets = [0, 31], sizes = [256, 1], strides = [1, 1]} : vector<256x64xf32> to vector<256x1xf32>
    %mul3A_291 = vector.broadcast %slice3A_290 : vector<256x1xf32> to vector<256x32xf32>
    %mul3A_292 = arith.mulf %slice3A_289, %mul3A_291 : vector<256x32xf32>
    %add3A_293 = arith.addf %add3A_288, %mul3A_292 : vector<256x32xf32>
    %slice3A_294 = vector.extract_strided_slice %get3A_1 {offsets = [0, 1248], sizes = [256, 32], strides = [1, 1]} : vector<256x2048xf32> to vector<256x32xf32>
    %slice3A_295 = vector.extract_strided_slice %get3A_4 {offsets = [0, 39], sizes = [256, 1], strides = [1, 1]} : vector<256x64xf32> to vector<256x1xf32>
    %mul3A_296 = vector.broadcast %slice3A_295 : vector<256x1xf32> to vector<256x32xf32>
    %mul3A_297 = arith.mulf %slice3A_294, %mul3A_296 : vector<256x32xf32>
    %add3A_298 = arith.addf %add3A_293, %mul3A_297 : vector<256x32xf32>
    %slice3A_299 = vector.extract_strided_slice %get3A_1 {offsets = [0, 1504], sizes = [256, 32], strides = [1, 1]} : vector<256x2048xf32> to vector<256x32xf32>
    %slice3A_300 = vector.extract_strided_slice %get3A_4 {offsets = [0, 47], sizes = [256, 1], strides = [1, 1]} : vector<256x64xf32> to vector<256x1xf32>
    %mul3A_301 = vector.broadcast %slice3A_300 : vector<256x1xf32> to vector<256x32xf32>
    %mul3A_302 = arith.mulf %slice3A_299, %mul3A_301 : vector<256x32xf32>
    %add3A_303 = arith.addf %add3A_298, %mul3A_302 : vector<256x32xf32>
    %slice3A_304 = vector.extract_strided_slice %get3A_1 {offsets = [0, 1760], sizes = [256, 32], strides = [1, 1]} : vector<256x2048xf32> to vector<256x32xf32>
    %slice3A_305 = vector.extract_strided_slice %get3A_4 {offsets = [0, 55], sizes = [256, 1], strides = [1, 1]} : vector<256x64xf32> to vector<256x1xf32>
    %mul3A_306 = vector.broadcast %slice3A_305 : vector<256x1xf32> to vector<256x32xf32>
    %mul3A_307 = arith.mulf %slice3A_304, %mul3A_306 : vector<256x32xf32>
    %add3A_308 = arith.addf %add3A_303, %mul3A_307 : vector<256x32xf32>
    %slice3A_309 = vector.extract_strided_slice %get3A_1 {offsets = [0, 2016], sizes = [256, 32], strides = [1, 1]} : vector<256x2048xf32> to vector<256x32xf32>
    %slice3A_310 = vector.extract_strided_slice %get3A_4 {offsets = [0, 63], sizes = [256, 1], strides = [1, 1]} : vector<256x64xf32> to vector<256x1xf32>
    %mul3A_311 = vector.broadcast %slice3A_310 : vector<256x1xf32> to vector<256x32xf32>
    %mul3A_312 = arith.mulf %slice3A_309, %mul3A_311 : vector<256x32xf32>
    %add3A_313 = arith.addf %add3A_308, %mul3A_312 : vector<256x32xf32>
    %concatenate3A = tpu.concatenate %add3A_40, %add3A_79, %add3A_118, %add3A_157, %add3A_196, %add3A_235, %add3A_274, %add3A_313 in 1 : vector<256x32xf32>, vector<256x32xf32>, vector<256x32xf32>, vector<256x32xf32>, vector<256x32xf32>, vector<256x32xf32>, vector<256x32xf32>, vector<256x32xf32> -> vector<256x256xf32>
    %get3A_314 = arith.constant 0 : index
    %get3A_315 = arith.constant 0 : index
    %get3A_316 = vector.load %arg3[%get3A_314, %get3A_315] : memref<256x64xf32, #tpu.memory_space<vmem>>, vector<256x64xf32>
    %dot_general3A = arith.constant dense<0.000000e+00> : vector<256x64xf32>
    %dot_general3A_317 = tpu.matmul %concatenate3A, %get3A_316, %dot_general3A {dimension_numbers = #tpu.dot_dimension_numbers<[1], [0], [0], [1], [0, 0, 1, 1], [], []>, transpose_lhs_hint = false} : vector<256x256xf32>, vector<256x64xf32>, vector<256x64xf32> -> vector<256x64xf32>
    %get3A_318 = arith.constant 0 : index
    %get3A_319 = arith.constant 0 : index
    %get3A_320 = vector.load %arg4[%get3A_318, %get3A_319] : memref<1x64xf32, #tpu.memory_space<vmem>>, vector<1x64xf32>
    %add3A_321 = vector.broadcast %get3A_320 : vector<1x64xf32> to vector<256x64xf32>
    %add3A_322 = arith.addf %dot_general3A_317, %add3A_321 : vector<256x64xf32>
    %swap3A = arith.constant 0 : index
    %swap3A_323 = arith.constant 0 : index
    %swap3A_324 = vector.load %arg5[%swap3A, %swap3A_323] : memref<256x64xf32, #tpu.memory_space<vmem>>, vector<256x64xf32>
    tpu.vector_store %arg5[%swap3A, %swap3A_323], %add3A_322 {strides = array<i32>} : memref<256x64xf32, #tpu.memory_space<vmem>>, vector<256x64xf32>,
    return
  }
  func.func @transform_0(%arg0: i32) -> (i32, i32) {
    %c0_i32 = arith.constant 0 : i32
    %c0_i32_0 = arith.constant 0 : i32
    return %arg0, %c0_i32 : i32, i32
  }
  func.func @transform_1(%arg0: i32) -> (i32, i32) {
    %c0_i32 = arith.constant 0 : i32
    %c0_i32_0 = arith.constant 0 : i32
    return %arg0, %c0_i32 : i32, i32
  }
  func.func @transform_2(%arg0: i32) -> (i32, i32) {
    %c0_i32 = arith.constant 0 : i32
    %c0_i32_0 = arith.constant 0 : i32
    %c0_i32_1 = arith.constant 0 : i32
    return %c0_i32, %c0_i32_0 : i32, i32
  }
  func.func @transform_3(%arg0: i32) -> (i32, i32) {
    %c0_i32 = arith.constant 0 : i32
    %c0_i32_0 = arith.constant 0 : i32
    %c0_i32_1 = arith.constant 0 : i32
    return %c0_i32, %c0_i32_0 : i32, i32
  }
  func.func @transform_4(%arg0: i32) -> (i32, i32) {
    %c0_i32 = arith.constant 0 : i32
    %c0_i32_0 = arith.constant 0 : i32
    return %arg0, %c0_i32 : i32, i32
  }
}

</mosaic_0001>

<sc_bundles>
// kernel: kernel.5.cloned.1.call-start
scs
__scs_entry_jumppad:
0x0: {  	(pc) =	sbr.rel $0x88, $3  }
0x1: {  	(tag) =	ssettag $0x0;
	lr =	simm.s32 $0x1  }
0x2: {  	[smem:$0x3F9A] =	sst lr;
	_ =	strace $0xD0000000  }
0x3: {  	_ = 	snop  }
0x4: {  	_ = 	snop  }
0x5: {  	_ = 	snop  }
0x6: {  	_ = 	snop  }
0x7: {  	_ = 	snop  }
__scs_overlays_trampoline_lowered:
0x8: {  	[smem:$0x3FA9] =	sst s0  }
0x9: {  	[smem:$0x3FAA] =	sst s1  }
0xa: {  	[smem:$0x3FAB] =	sst s2  }
0xb: {  	[smem:$0x3FAC] =	sst s3  }
0xc: {  	[smem:$0x3FAD] =	sst s4  }
0xd: {  	[smem:$0x3FAE] =	sst s5  }
0xe: {  	[smem:$0x3FAF] =	sst s6  }
0xf: {  	[smem:$0x3FB0] =	sst s7  }
0x10: {  	[smem:$0x3FB1] =	sst s8  }
0x11: {  	[smem:$0x3FB2] =	sst s9;
	s0 =	simm.s32 @!p0 $0x0  }
0x12: {  	s1 =	sld [smem:$0x3F98];
	s0 =	simm.s32 @p0 $0x1  }
0x13: {  	[smem:$0x3FB3] =	sst s0;
	s0 =	simm.s32 @!p1 $0x0  }
0x14: {  	s2 =	sld [smem:$0x3F97];
	s0 =	simm.s32 @p1 $0x1  }
0x15: {  	[smem:$0x3FB4] =	sst s0;
	s0 =	simm.s32 @!p2 $0x0  }
0x16: {  	s3 =	sld [smem:$0x3FDB];
	s0 =	simm.s32 @p2 $0x1  }
0x17: {  	s4 =	simm.s32 $0x1BF5;
	[smem:$0x3FB6] =	sst s0  }
0x18: {  	s0 =	sld [smem:$0x3F99];
	_ =	swait.ge [sflag:s4], $0x0  }
0x19: {  	s7 =	sld [smem:$0x3F9A]  }
0x1a: {  	s8 =	sadd.s32 $0xFFFFE003, lr  }
0x1b: {  	s9 =	sadd.s32 $0xFFFFFEF7, lr;
	s5 =	simm.s32 $0xFFFFFFFF;
	p2 =	slt.u32 s8, $0xFFFFF086  }
0x1c: {  	p1 =	slt.u32 s9, $0xF7A;
	s5 =	simm.s32 @!p2 $0x0  }
0x1d: {  	s5 =	simm.s32 @p1 $0x1;
	p0 =	seq.s32 s7, s2  }
0x1e: {  	s7 =	smul.u32 @!p0 $0xF7A, s2;
	p2 =	seq.s32 @!p0 s5, $0x0  }
0x1f: {  	s9 =	smul.u32 $0xF7A, s1;
	s8 =	simm.s32 @!p0 $0x1BF5;
	p2 =	por !p2, p0  }
0x20: {  	[sflag:s8] =	ssyncset.s32 @!p0 $0xFFFFF086;
	s6 =	sadd.s32 @!p0 s3, s7;
	s7 =	simm.s32 @!p0 $0x108  }
0x21: {  	s3 =	sadd.s32 s3, s9;
	s6 =	sadd.s32 @!p0 $0x88, s6;
	s7 =	simm.s32 @p2 $0x1082  }
0x22: {  	[simem:s7], [sflag:s8] =	dma.local @!p0 [hbm:s6], $0xF7A  }
0x23: {  	s9 =	sor.u32 $0xD0000000, s2;
	s6 =	simm.s32 $0x108;
	_ =	swait.ge @!p0 [sflag:s8], $0x0  }
0x24: {  	s3 =	sadd.s32 $0x88, s3;
	s6 =	simm.s32 @!p1 $0x1082;
	[sflag:s4] =	ssyncset.s32 $0xFFFFF086  }
0x25: {  	[simem:s6], [sflag:s4] =	dma.local [hbm:s3], $0xF7A  }
0x26: {  	[smem:$0x3F9A] =	sst s1;
	(tag) =	ssettag s2;
	_ =	strace s9  }
0x27: {  	s1 =	sld [smem:$0x3FAA]  }
0x28: {  	s2 =	sld [smem:$0x3FAB]  }
0x29: {  	s4 =	sld [smem:$0x3FAD]  }
0x2a: {  	p0 =	seq.s32 s5, $0x0;
	s5 =	sld [smem:$0x3FAE]  }
0x2b: {  	s6 =	sld [smem:$0x3FAF]  }
0x2c: {  	s7 =	sld [smem:$0x3FB0]  }
0x2d: {  	s3 =	simm.s32 $0x108;
	s8 =	sld [smem:$0x3FB1]  }
0x2e: {  	s3 =	simm.s32 @!p0 $0x1082;
	s9 =	sld [smem:$0x3FB2]  }
0x2f: {  	lr =	sadd.s32 s0, s3;
	s0 =	sld [smem:$0x3FA9]  }
0x30: {  	s3 =	sld [smem:$0x3FAC]  }
0x31: {  	[smem:$0x3FB5] =	sst s10  }
0x32: {  	s10 =	sld [smem:$0x3FB3];
	_ =	sdelay $0x3  }
0x33: {  	p0 =	seq.s32 s10, $0x1;
	s10 =	sld [smem:$0x3FB5];
	_ =	sdelay $0x3  }
0x34: {  	[smem:$0x3FB5] =	sst s10  }
0x35: {  	s10 =	sld [smem:$0x3FB4];
	_ =	sdelay $0x3  }
0x36: {  	p1 =	seq.s32 s10, $0x1;
	s10 =	sld [smem:$0x3FB5];
	_ =	sdelay $0x3  }
0x37: {  	[smem:$0x3FB5] =	sst s10  }
0x38: {  	s10 =	sld [smem:$0x3FB6]  }
0x39: {  	_ = 	snop;
	(pc) =	sbr.ind lr, $3  }
0x3a: {  	_ = 	snop  }
0x3b: {  	_ = 	snop  }
0x3c: {  	p2 =	seq.s32 s10, $0x1;
	s10 =	sld [smem:$0x3FB5]  }
0x3d: {  	_ =	shalt  }
0x3e: {  	_ =	shalt  }
0x3f: {  	_ =	shalt  }
0x40: {  	_ =	shalt  }
0x41: {  	_ =	shalt  }
0x42: {  	_ =	shalt  }
0x43: {  	_ =	shalt  }
0x44: {  	_ =	shalt  }
0x45: {  	_ =	shalt  }
0x46: {  	_ =	shalt  }
0x47: {  	_ =	shalt  }
0x48: {  	_ =	shalt  }
0x49: {  	_ =	shalt  }
0x4a: {  	_ =	shalt  }
0x4b: {  	_ =	shalt  }
0x4c: {  	_ =	shalt  }
0x4d: {  	_ =	shalt  }
0x4e: {  	_ =	shalt  }
0x4f: {  	_ =	shalt  }
0x50: {  	_ =	shalt  }
0x51: {  	_ =	shalt  }
0x52: {  	_ =	shalt  }
0x53: {  	_ =	shalt  }
0x54: {  	_ =	shalt  }
0x55: {  	_ =	shalt  }
0x56: {  	_ =	shalt  }
0x57: {  	_ =	shalt  }
0x58: {  	_ =	shalt  }
0x59: {  	_ =	shalt  }
0x5a: {  	_ =	shalt  }
0x5b: {  	_ =	shalt  }
0x5c: {  	_ =	shalt  }
0x5d: {  	_ =	shalt  }
0x5e: {  	_ =	shalt  }
0x5f: {  	_ =	shalt  }
0x60: {  	_ =	shalt  }
0x61: {  	_ =	shalt  }
0x62: {  	_ =	shalt  }
0x63: {  	_ =	shalt  }
0x64: {  	_ =	shalt  }
0x65: {  	_ =	shalt  }
0x66: {  	_ =	shalt  }
0x67: {  	_ =	shalt  }
0x68: {  	_ =	shalt  }
0x69: {  	_ =	shalt  }
0x6a: {  	_ =	shalt  }
0x6b: {  	_ =	shalt  }
0x6c: {  	_ =	shalt  }
0x6d: {  	_ =	shalt  }
0x6e: {  	_ =	shalt  }
0x6f: {  	_ =	shalt  }
0x70: {  	_ =	shalt  }
0x71: {  	_ =	shalt  }
0x72: {  	_ =	shalt  }
0x73: {  	_ =	shalt  }
0x74: {  	_ =	shalt  }
0x75: {  	_ =	shalt  }
0x76: {  	_ =	shalt  }
0x77: {  	_ =	shalt  }
0x78: {  	_ =	shalt  }
0x79: {  	_ =	shalt  }
0x7a: {  	_ =	shalt  }
0x7b: {  	_ =	shalt  }
0x7c: {  	_ =	shalt  }
0x7d: {  	_ =	shalt  }
0x7e: {  	_ =	shalt  }
0x7f: {  	_ =	shalt  }
0x80: {  	_ =	shalt  }
0x81: {  	_ =	shalt  }
0x82: {  	_ =	shalt  }
0x83: {  	_ =	shalt  }
0x84: {  	_ =	shalt  }
0x85: {  	_ =	shalt  }
0x86: {  	_ =	shalt  }
0x87: {  	_ =	shalt  }
.Lfunc_end0:
.L_simem_size_0:
called_computation_lowered:
.L_overlay_start_0:
0x88: {  	s2 =	sld [smem:$0x3FD9]  }
0x89: {  	s3 =	sld [smem:$0x3FFE];
	_ =	sdelay $0x1  }
0x8a: {  	s1 =	srdreg.scid  }
0x8b: {  	s0 =	sand.u32 $0x1, s1  }
0x8c: {  	s16 =	sshll.u32 s0, $0xA;
	s2 =	sadd.s32 s3, s2  }
0x8d: {  	s2 =	sadd.s32 s2, s16  }
0x8e: {  	[smem:$0x3FC1] =	sst s2  }
0x8f: {  	_ = 	snop  }
0x90: {  	(tm) =	ssettm $0x1  }
0x91: {  	s17 =	sld [smem:$0x3FFB];
	_ =	sdelay $0x3  }
0x92: {  	_ =	strace s17  }
0x93: {  	s2 =	sld [smem:$0x3FFC];
	_ =	sdelay $0x3  }
0x94: {  	_ =	strace s2  }
0x95: {  	s2 =	sld [smem:$0x3FFD];
	_ =	sdelay $0x3  }
0x96: {  	_ =	strace s2  }
0x97: {  	_ =	strace $0x8FFFFFFF  }
0x98: {  	s18 =	sld [smem:$0x3FDB];
	_ =	sdelay $0x1  }
0x99: {  	s19 =	simm.s32 $_scs_section_size  }
0x9a: {  	s4 =	simm.s32 $_size__tile_overlayer_lowered;
	s5 =	simm.s32 $_tile_overlayer_lowered  }
0x9b: {  	s22 =	simm.s32 $0x1BFF;
	s21 =	sshll.u32 s5, $0x1;
	s2 =	sadd.s32 s19, s18  }
0x9c: {  	s6 =	simm.s32 $0x0;
	s20 =	sshll.u32 s4, $0x1;
	s4 =	sadd.s32 s21, s2  }
0x9d: {  	[timem:s6], [sflag:s22] =	dma.local [hbm:s4], s20  }
0x9e: {  	_ =	swait.ge [sflag:s22], s20  }
0x9f: {  	s3 =	ssub.s32 $0x0, s20;
	[sflag:s22] =	ssyncset.done $0x0  }
0xa0: {  	[sflag:s22] =	ssyncadd.s32 s3;
	_ =	sdelay $0x1  }
0xa1: {  	s23 =	simm.s32 $0x1B8B  }
0xa2: {  	_ =	swait.ge [sflag:s23], $0x1  }
0xa3: {  	[sflag:s23] =	ssyncset.done $0x0  }
0xa4: {  	s25 =	simm.s32 $0x1B8E;
	s24 =	sld [smem:$0x3FFE];
	[sflag:s23] =	ssyncadd.s32 $0xFFFFFFFF  }
0xa5: {  	s26 =	simm.s32 $execute0_lowered;
	[smem:$0x3FD2] =	sst s25  }
0xa6: {  	s4 =	sshll.u32 s26, $0x1;
	_ =	strace $0x80000046;
	[dreg:$0x1] =	wrdreg $0xFFFFFFFF  }
0xa7: {  	s28 =	simm.s32 $_size_execute0_lowered;
	s2 =	sadd.s32 s2, s4;
	[dreg:$0x0] =	wrdreg $0x0  }
0xa8: {  	s4 =	sshll.u32 s28, $0x1;
	[dreg:$0x2] =	wrdreg s2  }
0xa9: {  	[dreg:$0x3] =	wrdreg s4  }
0xaa: {  	[dreg:$0x4] =	wrdreg $0xC0  }
0xab: {  	_ =	task [dreg:s6], $0x5FFFF  }
0xac: {  	[dreg:$0x1] =	wrdreg $0xFFFFFFFF  }
0xad: {  	[dreg:$0x0] =	wrdreg $0x60  }
0xae: {  	[dreg:$0x2] =	wrdreg s24  }
0xaf: {  	[dreg:$0x3] =	wrdreg $0x9  }
0xb0: {  	_ =	task.clear_ibuf [dreg:s6], $0x4FFFF;
	_ =	strace $0x90000046  }
0xb1: {  	s29 =	simm.s32 $0x9;
	_ =	strace $0x80000048  }
0xb2: {  	_ =	swait.ge [sflag:s29], $0x1  }
0xb3: {  	[sflag:s29] =	ssyncadd.s32 $0xFFFFFFFF  }
0xb4: {  	_ =	strace $0x90000048  }
0xb5: {  	_ =	sfence  }
0xb6: {  	s30 =	sld [smem:$0x0];
	_ =	sdelay $0x2  }
0xb7: {  	s31 =	sshll.u32 s1, $0xD;
	s1 =	sshrl.u32 s1, $0x2  }
0xb8: {  	s3 =	sand.u32 $0x4000, s31;
	s1 =	sadd.s32 s1, s30  }
0xb9: {  	s0 =	sor.u32 s3, s0;
	s1 =	sshll.u32 s1, $0x11  }
0xba: {  	s0 =	sor.u32 s1, s0  }
0xbb: {  	s0 =	sadd.s32 $0x8F2B, s0  }
0xbc: {  	[sflag:s0] =	ssyncadd.remote.s32 $0x1  }
0xbd: {  	_ =	sfence.sel $0xFFFF  }
0xbe: {  	[dreg:$0x0] =	wrdreg $0xFFFFFFFF;
	(pc) =	sbr.abs _section_cstart, $3  }
0xbf: {  	[dreg:$0x1] =	wrdreg $0xFFFFFFFF  }
0xc0: {  	_ =	task.clear_ibuf [dreg:s6], $0x2FFFF;
	_ =	strace $0x9FFFFFFF  }
0xc1: {  	(tm) =	ssettm $0x7FFFFFFF  }
tec
execute0_lowered:
.L_overlay_start_1:
0x0: {  	(tag) =	ssettag $0x1  }
0x1: {  	s4 =	rddreg [dreg:$0x0]  }
0x2: {  	s0 =	rddreg [dreg:$0x1]  }
0x3: {  	s3 =	srdreg.scid;
	s2 =	simm.s32 $0x0;
	s1 =	stileid.u32  }
0x4: {  	s11 =	simm.s32 $0x8000;
	s12 =	simm.s32 $0x10000;
	s13 =	simm.s32 $0x1  }
0x5: {  	s14 =	simm.s32 $0x2;
	s15 =	simm.s32 $0x0;
	s7 =	sand.u32 $0x1, s3  }
0x6: {  	[smem:$0x7FF] =	sst s2;
	s28 =	sshll.u32 s1, $0x10;
	s3 =	sadd.s32 $0x24200, s4  }
0x7: {  	s9 =	sadd.s32 $0x34200, s4;
	s30 =	sshll.u32 s1, $0x12;
	s5 =	sshll.u32 s7, $0xF  }
0x8: {  	_ =	strace $0x80000047;
	s8 =	ssub.s32 $0x2, s7;
	s5 =	sor.u32 s5, s28  }
0x9: {  	s31 =	sshll.u32 s7, $0x11;
	s10 =	sshrl.u32 s8, $0x1;
	s6 =	sshrl.u32 s5, $0x3  }
0xa: {  	s5 =	sshll.u32 s5, $0x2;
	s8 =	ssub.s32 s8, s10;
	s10 =	simm.s32 $0x400  }
0xb: {  	s4 =	sadd.s32 s6, s4;
	s29 =	sadd.s32 s5, s9;
	s9 =	sadd.s32 s30, s9  }
0xc: {  	s7 =	smax.u32 s8, $0x1;
	s4 =	sadd.s32 $0x4200, s4;
	s5 =	sadd.s32 $0x1E000, s29  }
0xd: {  	s6 =	sadd.s32 $0x1F000, s29;
	s8 =	sadd.s32 s31, s9;
	s9 =	simm.s32 $0x3  }
.LBB2_1:
0xe: {  	[tilespmem:s2], [sflag:$0x3] =	stream.linear.gather [hbm4b:s4+s2], $0x8000, $0x38;
	[tilespmem:$0x18000] =	vst v63  }
0xf: {  	_ =	swait.ge [sflag:s9], $0x8000  }
0x10: {  	[sflag:s9] =	ssyncset.done $0x0  }
0x11: {  	[sflag:s9] =	ssyncadd.s32 $0xFFFF8000  }
0x12: {  	[tilespmem:s11], [sflag:$0x1] =	stream.indirect.gather [hbm4b:s3+s10], $0x20, s2, s10, $0xb8;
	[tilespmem:$0x18000] =	vst v63  }
0x13: {  	_ = 	snop  }
0x14: {  	[tilespmem:s12], [sflag:$0x2] =	stream.indirect.gather [hbm4b:s3+s10], $0x20, s10, s10, $0xb8;
	[tilespmem:$0x18000] =	vst v63  }
0x15: {  	_ =	swait.ge [sflag:s13], $0x8000  }
0x16: {  	[sflag:s13] =	ssyncset.done $0x0  }
0x17: {  	s16 =	sadd.s32 $0x0, s8;
	[sflag:s13] =	ssyncadd.s32 $0xFFFF8000  }
0x18: {  	[hbm4b:s16+s2] =	stream.linear.scatter [tilespmem:s11], [sflag:$0x3], $0x8000, $0x38;
	[tilespmem:$0x18000] =	vst v63  }
0x19: {  	_ =	swait.ge [sflag:s9], $0x8000  }
0x1a: {  	[sflag:s9] =	ssyncset.done $0x0  }
0x1b: {  	s17 =	simm.s32 $0x800;
	[sflag:s9] =	ssyncadd.s32 $0xFFFF8000  }
0x1c: {  	[tilespmem:s11], [sflag:$0x1] =	stream.indirect.gather [hbm4b:s3+s10], $0x20, s17, s10, $0xb8;
	[tilespmem:$0x18000] =	vst v63  }
0x1d: {  	_ =	swait.ge [sflag:s14], $0x8000  }
0x1e: {  	[sflag:s14] =	ssyncset.done $0x0  }
0x1f: {  	s16 =	sadd.s32 $0x1000, s16;
	[sflag:s14] =	ssyncadd.s32 $0xFFFF8000  }
0x20: {  	[hbm4b:s16+s2] =	stream.linear.scatter [tilespmem:s12], [sflag:$0x3], $0x8000, $0x38;
	[tilespmem:$0x18000] =	vst v63  }
0x21: {  	_ =	swait.ge [sflag:s9], $0x8000  }
0x22: {  	[sflag:s9] =	ssyncset.done $0x0  }
0x23: {  	s17 =	simm.s32 $0xC00;
	s16 =	simm.s32 $0x2000;
	[sflag:s9] =	ssyncadd.s32 $0xFFFF8000  }
.LBB2_2:
0x24: {  	[tilespmem:s12], [sflag:$0x2] =	stream.indirect.gather [hbm4b:s3+s10], $0x20, s17, s10, $0xb8;
	[tilespmem:$0x18000] =	vst v63  }
0x25: {  	s17 =	smov.u32 s16  }
0x26: {  	p0 =	sne.s32 s16, $0x1C000;
	s16 =	sadd.s32 $0x2000, s16;
	_ =	swait.ge [sflag:s13], $0x8000  }
0x27: {  	[sflag:s13] =	ssyncset.done $0x0  }
0x28: {  	s18 =	sadd.s32 s17, s8;
	[sflag:s13] =	ssyncadd.s32 $0xFFFF8000  }
0x29: {  	[hbm4b:s18+s2] =	stream.linear.scatter [tilespmem:s11], [sflag:$0x3], $0x8000, $0x38;
	[tilespmem:$0x18000] =	vst v63  }
0x2a: {  	_ =	swait.ge [sflag:s9], $0x8000  }
0x2b: {  	s17 =	sshra.s32 s17, $0x2;
	[sflag:s9] =	ssyncset.done $0x0  }
0x2c: {  	s19 =	sadd.s32 $0x800, s17;
	[sflag:s9] =	ssyncadd.s32 $0xFFFF8000  }
0x2d: {  	[tilespmem:s11], [sflag:$0x1] =	stream.indirect.gather [hbm4b:s3+s10], $0x20, s19, s10, $0xb8;
	[tilespmem:$0x18000] =	vst v63  }
0x2e: {  	_ =	swait.ge [sflag:s14], $0x8000  }
0x2f: {  	[sflag:s14] =	ssyncset.done $0x0  }
.Ltmp0:
0x30: {  	s18 =	sadd.s32 $0x1000, s18;
	[sflag:s14] =	ssyncadd.s32 $0xFFFF8000;
	(pc) =	sbr.rel @p0 .LBB2_2-.Ltmp0, $4  }
0x31: {  	[hbm4b:s18+s2] =	stream.linear.scatter [tilespmem:s12], [sflag:$0x3], $0x8000, $0x38;
	[tilespmem:$0x18000] =	vst v63  }
0x32: {  	_ =	swait.ge [sflag:s9], $0x8000  }
0x33: {  	[sflag:s9] =	ssyncset.done $0x0  }
0x34: {  	s17 =	sadd.s32 $0xC00, s17;
	[sflag:s9] =	ssyncadd.s32 $0xFFFF8000  }
0x35: {  	[tilespmem:s12], [sflag:$0x2] =	stream.indirect.gather [hbm4b:s3+s10], $0x20, s17, s10, $0xb8;
	[tilespmem:$0x18000] =	vst v63  }
0x36: {  	_ =	swait.ge [sflag:s13], $0x8000  }
0x37: {  	[sflag:s13] =	ssyncset.done $0x0  }
0x38: {  	[sflag:s13] =	ssyncadd.s32 $0xFFFF8000  }
0x39: {  	[hbm4b:s5+s2] =	stream.linear.scatter [tilespmem:s11], [sflag:$0x3], $0x8000, $0x38;
	[tilespmem:$0x18000] =	vst v63  }
0x3a: {  	_ =	swait.ge [sflag:s9], $0x8000  }
0x3b: {  	[sflag:s9] =	ssyncset.done $0x0  }
0x3c: {  	[sflag:s9] =	ssyncadd.s32 $0xFFFF8000  }
0x3d: {  	s15 =	sadd.s32 $0x1, s15;
	_ =	swait.ge [sflag:s14], $0x8000  }
0x3e: {  	p0 =	sne.s32 s15, s7;
	[sflag:s14] =	ssyncset.done $0x0  }
.Ltmp1:
0x3f: {  	[sflag:s14] =	ssyncadd.s32 $0xFFFF8000;
	(pc) =	sbr.rel @p0 .LBB2_1-.Ltmp1, $4  }
0x40: {  	[hbm4b:s6+s2] =	stream.linear.scatter [tilespmem:s12], [sflag:$0x3], $0x8000, $0x38;
	[tilespmem:$0x18000] =	vst v63  }
0x41: {  	_ =	swait.ge [sflag:s9], $0x8000  }
0x42: {  	[sflag:s9] =	ssyncset.done $0x0  }
0x43: {  	[sflag:s9] =	ssyncadd.s32 $0xFFFF8000  }
0x44: {  	_ =	sfence.sel $0x180000  }
0x45: {  	[bflag:$0x0] =	sbarrier.arrive $0xFFFF  }
0x46: {  	p0 =	sne.s32 s1, $0x0;
	_ =	strace $0x90000047  }
0x47: {  	s0 =	sadd.s32 @!p0 $0x100000, s0;
	[bflag:$0x2] =	sbarrier.arrive $0xFFFF  }
0x48: {  	[sflag:s0] =	ssyncadd.tile.s32 @!p0 $0x1;
	_ =	shalt  }
.Lfunc_end2:
_tile_overlayer_lowered:
.L_overlay_start_2:
0x49: {  	(tag) =	ssettag $0x2  }
0x4a: {  	s0 =	rddreg [dreg:$0x0];
	s2 =	stileid.u32  }
0x4b: {  	s1 =	rddreg [dreg:$0x1];
	p0 =	sne.s32 s2, $0x0  }
0x4c: {  	s3 =	rddreg [dreg:$0x2];
	[bflag:$0x3] =	sbarrier.arrive $0xFFFF;
	s2 =	simm.s32 @!p0 $0x1C03  }
0x4d: {  	[timem:s3], [sflag:s2] =	dma.local @!p0 [hbm:s0], s1  }
0x4e: {  	s0 =	simm.s32 @!p0 $0x3  }
0x4f: {  	_ =	swait.ge @!p0 [sflag:s0], s1  }
0x50: {  	s1 =	ssub.s32 @!p0 $0x0, s1;
	[sflag:s0] =	ssyncset.done @!p0 $0x0  }
0x51: {  	[sflag:s0] =	ssyncadd.s32 @!p0 s1  }
0x52: {  	[bflag:$0x3] =	sbarrier.arrive $0xFFFF  }
0x53: {  	_ =	shalt  }

</sc_bundles>
